<compile_context>
chip_gen: v7x
topology: tpu7x:2x2x1
jax: 0.10.2.dev20260603
libtpu: 0.0.44.dev20260713+nightly
codegen_flags: <defaults>
</compile_context>

<pallas_src>
import math

import jax
import jax.numpy as jnp
from jax.experimental import pallas as pl
from jax.experimental.pallas import tpu as pltpu

B, N, C = 32, 576, 768
CLUSTER_NUMS = (144, 72, 36)
KTOT = sum(CLUSTER_NUMS)
T = 96
NT = N // T


def _dist_body(x_ref, x2_ref, dist_ref):
    x = x_ref[0]
    x2 = x2_ref[0, 0]
    rsC = math.sqrt(C)
    g = jax.lax.dot_general(
        x, x, dimension_numbers=(((1,), (1,)), ((), ())),
        preferred_element_type=jnp.float32)
    d2 = x2[:, None] + x2[None, :] - 2.0 * g
    dist_ref[0] = jnp.sqrt(jnp.maximum(d2, 0.0)) / rsC


def _dist_stage(x, x2):
    return pl.pallas_call(
        _dist_body,
        grid=(B,),
        in_specs=[
            pl.BlockSpec((1, N, C), lambda b: (b, 0, 0)),
            pl.BlockSpec((1, 1, N), lambda b: (b, 0, 0)),
        ],
        out_specs=pl.BlockSpec((1, N, N), lambda b: (b, 0, 0)),
        out_shape=jax.ShapeDtypeStruct((B, N, N), jnp.float32),
    )(x, x2)


def _stage1_body(dist_in_ref, dens_ref, scores_ref):
    dmax = jnp.float32(0.0)
    for t in range(NT):
        dist = dist_in_ref[0, t * T:(t + 1) * T, :]
        dmax = jnp.maximum(dmax, jnp.max(dist))

    for r in range(3):
        dens_row = dens_ref[0, r][None, :]
        for t in range(NT):
            dist = dist_in_ref[0, t * T:(t + 1) * T, :]
            dr = dens_row[0, t * T:(t + 1) * T]
            tmp = jnp.where(dens_row > dr[:, None], dist, dmax)
            peak = jnp.min(tmp, axis=1)
            scores_ref[0, r, t * T:(t + 1) * T] = peak * dr


def _stage1(dist, dens):
    return pl.pallas_call(
        _stage1_body,
        grid=(B,),
        in_specs=[
            pl.BlockSpec((1, N, N), lambda b: (b, 0, 0)),
            pl.BlockSpec((1, 3, N), lambda b: (b, 0, 0)),
        ],
        out_specs=pl.BlockSpec((1, 3, N), lambda b: (b, 0, 0)),
        out_shape=jax.ShapeDtypeStruct((B, 3, N), jnp.float32),
    )(dist, dens)


def _stage2_body(scores_ref, centers_ref):
    iota = jax.lax.broadcasted_iota(jnp.int32, (B, N), 1)
    neg = jnp.float32(-3.4e38)

    def topk(score, k):
        col = jax.lax.broadcasted_iota(jnp.int32, (B, k), 1)

        def step(t, carry):
            cur, idxs = carry
            m = jnp.max(cur, axis=1)
            hit = cur == m[:, None]
            am = jnp.min(jnp.where(hit, iota, N), axis=1)
            cur = jnp.where(iota == am[:, None], neg, cur)
            idxs = jnp.where(col == t, am[:, None], idxs)
            return cur, idxs

        _, idxs = jax.lax.fori_loop(
            0, k, step, (score, jnp.zeros((B, k), jnp.int32)))
        return idxs

    parts = [topk(scores_ref[:, r, :], CLUSTER_NUMS[r]) for r in range(3)]
    centers_ref[...] = jnp.concatenate(parts, axis=1)


def _stage2(scores):
    return pl.pallas_call(
        _stage2_body,
        out_shape=jax.ShapeDtypeStruct((B, KTOT), jnp.int32),
    )(scores)


def _stage3_body(x_ref, dist_ref, centers_ref, merged_ref):
    x = x_ref[0]
    dist = dist_ref[0]
    iota_n = jax.lax.broadcasted_iota(jnp.int32, (1, N), 1)
    off = 0
    for r, k in enumerate(CLUSTER_NUMS):
        idxs = centers_ref[0, 0, off:off + k]
        iota_k = jax.lax.broadcasted_iota(jnp.int32, (k, 1), 0)
        onehot_b = idxs[:, None] == iota_n
        onehot = onehot_b.astype(jnp.float32)
        dist_down = jnp.dot(onehot, dist,
                            preferred_element_type=jnp.float32,
                            precision=jax.lax.Precision.HIGHEST)
        m = jnp.min(dist_down, axis=0)
        amin = jnp.min(jnp.where(dist_down == m[None, :], iota_k, k),
                       axis=0)
        rank = jnp.max(jnp.where(onehot_b, iota_k, -1), axis=0)
        assign = jnp.where(rank >= 0, rank, amin)
        onehot_a = (assign[None, :] == iota_k).astype(jnp.float32)
        cnt = jnp.sum(onehot_a, axis=1)
        sums = jnp.dot(onehot_a, x, preferred_element_type=jnp.float32,
                       precision=jax.lax.Precision.HIGHEST)
        merged_ref[0, off:off + k] = sums * (1.0 / (cnt + 1e-6))[:, None]
        off += k


def _stage3(x, dist, centers3):
    return pl.pallas_call(
        _stage3_body,
        grid=(B,),
        in_specs=[
            pl.BlockSpec((1, N, C), lambda b: (b, 0, 0)),
            pl.BlockSpec((1, N, N), lambda b: (b, 0, 0)),
            pl.BlockSpec((1, 1, KTOT), lambda b: (b, 0, 0)),
        ],
        out_specs=pl.BlockSpec((1, KTOT, C), lambda b: (b, 0, 0)),
        out_shape=jax.ShapeDtypeStruct((B, KTOT, C), jnp.float32),
    )(x, dist, centers3)


def kernel(patch_features):
    x = patch_features
    nkey = jax.random.key(42)
    noise = jnp.stack([
        jax.random.uniform(jax.random.fold_in(nkey, i), (B, N),
                           dtype=patch_features.dtype)
        for i in range(3)], axis=1)
    x2 = jnp.sum(x * x, axis=-1)
    dist = _dist_stage(x, x2.reshape(B, 1, N))
    dens_list = []
    for r, k in enumerate((5, 3, 3)):
        neg_vals, _ = jax.lax.top_k(-dist, k)
        dens_list.append(jnp.exp(-jnp.mean((-neg_vals) ** 2, axis=-1))
                         + noise[:, r, :] * 1e-6)
    dens = jnp.stack(dens_list, axis=1)
    scores = _stage1(dist, dens)
    centers = _stage2(scores)
    merged = _stage3(x, dist, centers.reshape(B, 1, KTOT))
    return centers, merged

# --- scband reference (transcript-rebuilt; emitter-appended) ---
"""Pipeline reference for scband-patch-cluster-20512763805899 (READ-ONLY COPY).

The authoritative reference and input builder live on the scoring server;
editing this copy changes nothing except your own understanding.
"""

import jax, jax.numpy as jnp
import numpy as np
import math

NUM_SCALE_REPS = 3
CLUSTER_RATES = [0.25, 0.125, 0.0625]
KS = [5, 3, 3]

def _cdist(x):
    x2 = jnp.sum(x * x, axis=-1)
    d2 = x2[:, :, None] + x2[:, None, :] - 2.0 * jnp.einsum('bnc,bmc->bnm', x, x)
    return jnp.sqrt(jnp.maximum(d2, 0.0))

def cluster_dpc_knn(x, cluster_num, k, noise):
    B, N, C = x.shape
    dist_matrix = _cdist(x) / (C ** 0.5)
    # k nearest (smallest) distances
    neg_vals, index_nearest = jax.lax.top_k(-dist_matrix, k)
    dist_nearest = -neg_vals
    density = jnp.exp(-jnp.mean(dist_nearest ** 2, axis=-1))
    # tiny noise to break density ties (torch.rand * 1e-6 in original)
    density = density + noise * 1e-6
    mask = (density[:, None, :] > density[:, :, None]).astype(x.dtype)
    dist_max = jnp.max(dist_matrix.reshape(B, -1), axis=-1)[:, None, None]
    tmp = dist_matrix * mask + dist_max * (1.0 - mask)
    dist = jnp.min(tmp, axis=-1)
    score = dist * density
    _, index_down = jax.lax.top_k(score, cluster_num)
    dist_down = jnp.take_along_axis(dist_matrix, index_down[:, :, None], axis=1)
    idx_cluster = jnp.argmin(dist_down, axis=1)
    # cluster centers merge to themselves
    idx_batch = jnp.arange(B)[:, None]
    idx_cluster = idx_cluster.at[idx_batch, index_down].set(
        jnp.broadcast_to(jnp.arange(cluster_num)[None, :], (B, cluster_num)))
    return index_down, idx_cluster

def merge_tokens(x, idx_cluster, cluster_num, token_weight):
    B, N, C = x.shape
    idx_batch = jnp.arange(B)[:, None]
    idx = idx_cluster + idx_batch * cluster_num
    flat_idx = idx.reshape(B * N)
    all_weight = jnp.zeros((B * cluster_num,), x.dtype).at[flat_idx].add(
        token_weight.reshape(B * N)) + 1e-6
    norm_weight = token_weight / all_weight[idx]
    source = x * norm_weight[:, :, None]
    x_merged = jnp.zeros((B * cluster_num, C), x.dtype).at[flat_idx].add(
        source.reshape(B * N, C))
    return x_merged.reshape(B, cluster_num, C)

def patch_cluster_forward(patch_features):
    B, N, C = patch_features.shape
    feats = []
    idxs = []
    nkey = jax.random.key(42)
    for i in range(NUM_SCALE_REPS):
        sample_ratio = CLUSTER_RATES[i]
        if sample_ratio > 1:
            cluster_num = max(math.ceil(sample_ratio), 1)
        else:
            cluster_num = max(math.ceil(N * sample_ratio), 1)
        k = KS[i]
        if k > cluster_num:
            k = min(3, max(cluster_num // 2, 1))
        noise = jax.random.uniform(jax.random.fold_in(nkey, i), (B, N), dtype=patch_features.dtype)
        token_weight = jnp.ones((B, N), patch_features.dtype)
        index_down, idx_cluster = cluster_dpc_knn(
            jax.lax.stop_gradient(patch_features), cluster_num, k, noise)
        merged = merge_tokens(patch_features, idx_cluster, cluster_num, token_weight)
        feats.append(merged)
        idxs.append(index_down)
    cluster_center_indices = jnp.concatenate(idxs, axis=1)
    cluster_patch_features = jnp.concatenate(feats, axis=1)
    return cluster_center_indices, cluster_patch_features

def setup_inputs(seed: int = 0) -> dict:
    key = jax.random.key(seed)
    patch_features = jax.random.normal(key, (32, 576, 768), dtype=jnp.float32)
    return {"patch_features": patch_features}

def reference(patch_features):
    return patch_cluster_forward(patch_features)

if __name__ == "__main__":
    import jax
    _d = setup_inputs()
    print(jax.jit(kernel)(*tuple(_d.values())))

</pallas_src>

<mosaic_0001>
module attributes {stable_mosaic.version = 14 : i64} {
  func.func @_dist_body(%arg0: i32, %arg1: memref<1x576x768xf32, #tpu.memory_space<vmem>>, %arg2: memref<1x1x576xf32, #tpu.memory_space<vmem>>, %arg3: memref<1x576x576xf32, #tpu.memory_space<vmem>>) attributes {dimension_semantics = [#tpu.dimension_semantics<arbitrary>], iteration_bounds = array<i64: 32>, scalar_prefetch = 0 : i64, scratch_operands = 0 : i64, tpu.core_type = #tpu.core_type<tc>, window_params = [{transform_indices = @transform_0, window_bounds = array<i64: 1, 576, 768>}, {transform_indices = @transform_1, window_bounds = array<i64: 1, 1, 576>}, {transform_indices = @transform_2, window_bounds = array<i64: 1, 576, 576>}]} {
    %get3A = arith.constant 0 : index
    %get3A_0 = arith.constant 0 : index
    %get3A_1 = arith.constant 0 : index
    %get3A_2 = vector.load %arg1[%get3A, %get3A_0, %get3A_1] : memref<1x576x768xf32, #tpu.memory_space<vmem>>, vector<1x576x768xf32>
    %get3A_3 = vector.shape_cast %get3A_2 : vector<1x576x768xf32> to vector<576x768xf32>
    %get3A_4 = arith.constant 0 : index
    %get3A_5 = arith.constant 0 : index
    %get3A_6 = arith.constant 0 : index
    %get3A_7 = vector.load %arg2[%get3A_4, %get3A_5, %get3A_6] : memref<1x1x576xf32, #tpu.memory_space<vmem>>, vector<1x1x576xf32>
    %get3A_8 = vector.shape_cast %get3A_7 : vector<1x1x576xf32> to vector<576xf32>
    %dot_general3A = arith.constant dense<0.000000e+00> : vector<576x576xf32>
    %dot_general3A_9 = tpu.matmul %get3A_3, %get3A_3, %dot_general3A {dimension_numbers = #tpu.dot_dimension_numbers<[1], [1], [0], [0], [0, 0, 1, 0], [], []>, transpose_lhs_hint = false} : vector<576x768xf32>, vector<576x768xf32>, vector<576x576xf32> -> vector<576x576xf32>
    %broadcast_in_dim3A = vector.shape_cast %get3A_8 : vector<576xf32> to vector<576x1xf32>
    %broadcast_in_dim3A_10 = vector.shape_cast %get3A_8 : vector<576xf32> to vector<1x576xf32>
    %add3A = vector.broadcast %broadcast_in_dim3A : vector<576x1xf32> to vector<576x576xf32>
    %add3A_11 = vector.broadcast %broadcast_in_dim3A_10 : vector<1x576xf32> to vector<576x576xf32>
    %add3A_12 = arith.addf %add3A, %add3A_11 : vector<576x576xf32>
    %mul3A = arith.constant 2.000000e+00 : f32
    %mul3A_13 = vector.broadcast %mul3A : f32 to vector<576x576xf32>
    %mul3A_14 = arith.mulf %mul3A_13, %dot_general3A_9 : vector<576x576xf32>
    %sub3A = arith.subf %add3A_12, %mul3A_14 : vector<576x576xf32>
    %max3A = arith.constant 0.000000e+00 : f32
    %max3A_15 = vector.broadcast %max3A : f32 to vector<576x576xf32>
    %max3A_16 = arith.maximumf %sub3A, %max3A_15 : vector<576x576xf32>
    %sqrt3A = math.sqrt %max3A_16 : vector<576x576xf32>
    %div3A = arith.constant 27.7128124 : f32
    %div3A_17 = vector.broadcast %div3A : f32 to vector<576x576xf32>
    %div3A_18 = arith.divf %sqrt3A, %div3A_17 : vector<576x576xf32>
    %swap3A = arith.constant 0 : index
    %swap3A_19 = arith.constant 0 : index
    %swap3A_20 = arith.constant 0 : index
    %swap3A_21 = vector.load %arg3[%swap3A, %swap3A_19, %swap3A_20] : memref<1x576x576xf32, #tpu.memory_space<vmem>>, vector<1x576x576xf32>
    %swap3A_22 = vector.shape_cast %swap3A_21 : vector<1x576x576xf32> to vector<576x576xf32>
    %swap3A_23 = vector.shape_cast %div3A_18 : vector<576x576xf32> to vector<1x576x576xf32>
    tpu.vector_store %arg3[%swap3A, %swap3A_19, %swap3A_20], %swap3A_23 {strides = array<i32>} : memref<1x576x576xf32, #tpu.memory_space<vmem>>, vector<1x576x576xf32>,
    return
  }
  func.func @transform_0(%arg0: i32) -> (i32, i32, i32) {
    %c0_i32 = arith.constant 0 : i32
    %c0_i32_0 = arith.constant 0 : i32
    %c0_i32_1 = arith.constant 0 : i32
    return %arg0, %c0_i32, %c0_i32_0 : i32, i32, i32
  }
  func.func @transform_1(%arg0: i32) -> (i32, i32, i32) {
    %c0_i32 = arith.constant 0 : i32
    %c0_i32_0 = arith.constant 0 : i32
    %c0_i32_1 = arith.constant 0 : i32
    return %arg0, %c0_i32, %c0_i32_0 : i32, i32, i32
  }
  func.func @transform_2(%arg0: i32) -> (i32, i32, i32) {
    %c0_i32 = arith.constant 0 : i32
    %c0_i32_0 = arith.constant 0 : i32
    %c0_i32_1 = arith.constant 0 : i32
    return %arg0, %c0_i32, %c0_i32_0 : i32, i32, i32
  }
}

module attributes {stable_mosaic.version = 14 : i64} {
  func.func @_stage1_body(%arg0: i32, %arg1: memref<1x576x576xf32, #tpu.memory_space<vmem>>, %arg2: memref<1x3x576xf32, #tpu.memory_space<vmem>>, %arg3: memref<1x3x576xf32, #tpu.memory_space<vmem>>) attributes {dimension_semantics = [#tpu.dimension_semantics<arbitrary>], iteration_bounds = array<i64: 32>, scalar_prefetch = 0 : i64, scratch_operands = 0 : i64, tpu.core_type = #tpu.core_type<tc>, window_params = [{transform_indices = @transform_0, window_bounds = array<i64: 1, 576, 576>}, {transform_indices = @transform_1, window_bounds = array<i64: 1, 3, 576>}, {transform_indices = @transform_2, window_bounds = array<i64: 1, 3, 576>}]} {
    %get3A = arith.constant 0 : index
    %get3A_0 = arith.constant 0 : index
    %get3A_1 = arith.constant 0 : index
    %get3A_2 = vector.load %arg1[%get3A, %get3A_0, %get3A_1] : memref<1x576x576xf32, #tpu.memory_space<vmem>>, vector<1x96x576xf32>
    %get3A_3 = vector.shape_cast %get3A_2 : vector<1x96x576xf32> to vector<96x576xf32>
    %reduce_max3A = vector.shape_cast %get3A_3 : vector<96x576xf32> to vector<1x96x576xf32>
    %reduce_max3A_4 = arith.constant dense<0xFF800000> : vector<1xf32>
    %reduce_max3A_5 = vector.multi_reduction <maximumf>, %reduce_max3A, %reduce_max3A_4 [1, 2] : vector<1x96x576xf32> to vector<1xf32>
    %reduce_max3A_6 = vector.shape_cast %reduce_max3A_5 : vector<1xf32> to vector<1x1x1xf32>
    %reduce_max3A_7 = vector.extract %reduce_max3A_6[0, 0, 0] : f32 from vector<1x1x1xf32>
    %max3A = arith.constant 0.000000e+00 : f32
    %max3A_8 = arith.maximumf %max3A, %reduce_max3A_7 : f32
    %get3A_9 = arith.constant 0 : index
    %get3A_10 = arith.constant 96 : index
    %get3A_11 = arith.constant 0 : index
    %get3A_12 = vector.load %arg1[%get3A_9, %get3A_10, %get3A_11] : memref<1x576x576xf32, #tpu.memory_space<vmem>>, vector<1x96x576xf32>
    %get3A_13 = vector.shape_cast %get3A_12 : vector<1x96x576xf32> to vector<96x576xf32>
    %reduce_max3A_14 = vector.shape_cast %get3A_13 : vector<96x576xf32> to vector<1x96x576xf32>
    %reduce_max3A_15 = arith.constant dense<0xFF800000> : vector<1xf32>
    %reduce_max3A_16 = vector.multi_reduction <maximumf>, %reduce_max3A_14, %reduce_max3A_15 [1, 2] : vector<1x96x576xf32> to vector<1xf32>
    %reduce_max3A_17 = vector.shape_cast %reduce_max3A_16 : vector<1xf32> to vector<1x1x1xf32>
    %reduce_max3A_18 = vector.extract %reduce_max3A_17[0, 0, 0] : f32 from vector<1x1x1xf32>
    %max3A_19 = arith.maximumf %max3A_8, %reduce_max3A_18 : f32
    %get3A_20 = arith.constant 0 : index
    %get3A_21 = arith.constant 192 : index
    %get3A_22 = arith.constant 0 : index
    %get3A_23 = vector.load %arg1[%get3A_20, %get3A_21, %get3A_22] : memref<1x576x576xf32, #tpu.memory_space<vmem>>, vector<1x96x576xf32>
    %get3A_24 = vector.shape_cast %get3A_23 : vector<1x96x576xf32> to vector<96x576xf32>
    %reduce_max3A_25 = vector.shape_cast %get3A_24 : vector<96x576xf32> to vector<1x96x576xf32>
    %reduce_max3A_26 = arith.constant dense<0xFF800000> : vector<1xf32>
    %reduce_max3A_27 = vector.multi_reduction <maximumf>, %reduce_max3A_25, %reduce_max3A_26 [1, 2] : vector<1x96x576xf32> to vector<1xf32>
    %reduce_max3A_28 = vector.shape_cast %reduce_max3A_27 : vector<1xf32> to vector<1x1x1xf32>
    %reduce_max3A_29 = vector.extract %reduce_max3A_28[0, 0, 0] : f32 from vector<1x1x1xf32>
    %max3A_30 = arith.maximumf %max3A_19, %reduce_max3A_29 : f32
    %get3A_31 = arith.constant 0 : index
    %get3A_32 = arith.constant 288 : index
    %get3A_33 = arith.constant 0 : index
    %get3A_34 = vector.load %arg1[%get3A_31, %get3A_32, %get3A_33] : memref<1x576x576xf32, #tpu.memory_space<vmem>>, vector<1x96x576xf32>
    %get3A_35 = vector.shape_cast %get3A_34 : vector<1x96x576xf32> to vector<96x576xf32>
    %reduce_max3A_36 = vector.shape_cast %get3A_35 : vector<96x576xf32> to vector<1x96x576xf32>
    %reduce_max3A_37 = arith.constant dense<0xFF800000> : vector<1xf32>
    %reduce_max3A_38 = vector.multi_reduction <maximumf>, %reduce_max3A_36, %reduce_max3A_37 [1, 2] : vector<1x96x576xf32> to vector<1xf32>
    %reduce_max3A_39 = vector.shape_cast %reduce_max3A_38 : vector<1xf32> to vector<1x1x1xf32>
    %reduce_max3A_40 = vector.extract %reduce_max3A_39[0, 0, 0] : f32 from vector<1x1x1xf32>
    %max3A_41 = arith.maximumf %max3A_30, %reduce_max3A_40 : f32
    %get3A_42 = arith.constant 0 : index
    %get3A_43 = arith.constant 384 : index
    %get3A_44 = arith.constant 0 : index
    %get3A_45 = vector.load %arg1[%get3A_42, %get3A_43, %get3A_44] : memref<1x576x576xf32, #tpu.memory_space<vmem>>, vector<1x96x576xf32>
    %get3A_46 = vector.shape_cast %get3A_45 : vector<1x96x576xf32> to vector<96x576xf32>
    %reduce_max3A_47 = vector.shape_cast %get3A_46 : vector<96x576xf32> to vector<1x96x576xf32>
    %reduce_max3A_48 = arith.constant dense<0xFF800000> : vector<1xf32>
    %reduce_max3A_49 = vector.multi_reduction <maximumf>, %reduce_max3A_47, %reduce_max3A_48 [1, 2] : vector<1x96x576xf32> to vector<1xf32>
    %reduce_max3A_50 = vector.shape_cast %reduce_max3A_49 : vector<1xf32> to vector<1x1x1xf32>
    %reduce_max3A_51 = vector.extract %reduce_max3A_50[0, 0, 0] : f32 from vector<1x1x1xf32>
    %max3A_52 = arith.maximumf %max3A_41, %reduce_max3A_51 : f32
    %get3A_53 = arith.constant 0 : index
    %get3A_54 = arith.constant 480 : index
    %get3A_55 = arith.constant 0 : index
    %get3A_56 = vector.load %arg1[%get3A_53, %get3A_54, %get3A_55] : memref<1x576x576xf32, #tpu.memory_space<vmem>>, vector<1x96x576xf32>
    %get3A_57 = vector.shape_cast %get3A_56 : vector<1x96x576xf32> to vector<96x576xf32>
    %reduce_max3A_58 = vector.shape_cast %get3A_57 : vector<96x576xf32> to vector<1x96x576xf32>
    %reduce_max3A_59 = arith.constant dense<0xFF800000> : vector<1xf32>
    %reduce_max3A_60 = vector.multi_reduction <maximumf>, %reduce_max3A_58, %reduce_max3A_59 [1, 2] : vector<1x96x576xf32> to vector<1xf32>
    %reduce_max3A_61 = vector.shape_cast %reduce_max3A_60 : vector<1xf32> to vector<1x1x1xf32>
    %reduce_max3A_62 = vector.extract %reduce_max3A_61[0, 0, 0] : f32 from vector<1x1x1xf32>
    %max3A_63 = arith.maximumf %max3A_52, %reduce_max3A_62 : f32
    %get3A_64 = arith.constant 0 : index
    %get3A_65 = arith.constant 0 : index
    %get3A_66 = arith.constant 0 : index
    %get3A_67 = vector.load %arg2[%get3A_64, %get3A_65, %get3A_66] : memref<1x3x576xf32, #tpu.memory_space<vmem>>, vector<1x1x576xf32>
    %get3A_68 = vector.shape_cast %get3A_67 : vector<1x1x576xf32> to vector<576xf32>
    %broadcast_in_dim3A = vector.shape_cast %get3A_68 : vector<576xf32> to vector<1x576xf32>
    %get3A_69 = arith.constant 0 : index
    %get3A_70 = arith.constant 0 : index
    %get3A_71 = arith.constant 0 : index
    %get3A_72 = vector.load %arg1[%get3A_69, %get3A_70, %get3A_71] : memref<1x576x576xf32, #tpu.memory_space<vmem>>, vector<1x96x576xf32>
    %get3A_73 = vector.shape_cast %get3A_72 : vector<1x96x576xf32> to vector<96x576xf32>
    %slice3A = vector.extract_strided_slice %broadcast_in_dim3A {offsets = [0, 0], sizes = [1, 96], strides = [1, 1]} : vector<1x576xf32> to vector<1x96xf32>
    %squeeze3A = vector.shape_cast %slice3A : vector<1x96xf32> to vector<96xf32>
    %broadcast_in_dim3A_74 = vector.shape_cast %squeeze3A : vector<96xf32> to vector<96x1xf32>
    %gt3A = vector.broadcast %broadcast_in_dim3A : vector<1x576xf32> to vector<96x576xf32>
    %gt3A_75 = vector.broadcast %broadcast_in_dim3A_74 : vector<96x1xf32> to vector<96x576xf32>
    %gt3A_76 = arith.cmpf ogt, %gt3A, %gt3A_75 : vector<96x576xf32>
    %broadcast_in_dim3A_77 = vector.broadcast %max3A_63 : f32 to vector<96x576xf32>
    %select_n3A = arith.select %gt3A_76, %get3A_73, %broadcast_in_dim3A_77 : vector<96x576xi1>, vector<96x576xf32>
    %reduce_min3A = arith.constant dense<0x7F800000> : vector<96xf32>
    %reduce_min3A_78 = vector.multi_reduction <minimumf>, %select_n3A, %reduce_min3A [1] : vector<96x576xf32> to vector<96xf32>
    %mul3A = arith.mulf %reduce_min3A_78, %squeeze3A : vector<96xf32>
    %swap3A = arith.constant 0 : index
    %swap3A_79 = arith.constant 0 : index
    %swap3A_80 = arith.constant 0 : index
    %swap3A_81 = vector.load %arg3[%swap3A, %swap3A_79, %swap3A_80] : memref<1x3x576xf32, #tpu.memory_space<vmem>>, vector<1x1x96xf32>
    %swap3A_82 = vector.shape_cast %swap3A_81 : vector<1x1x96xf32> to vector<96xf32>
    %swap3A_83 = vector.shape_cast %mul3A : vector<96xf32> to vector<1x1x96xf32>
    tpu.vector_store %arg3[%swap3A, %swap3A_79, %swap3A_80], %swap3A_83 {strides = array<i32>} : memref<1x3x576xf32, #tpu.memory_space<vmem>>, vector<1x1x96xf32>,
    %get3A_84 = arith.constant 0 : index
    %get3A_85 = arith.constant 96 : index
    %get3A_86 = arith.constant 0 : index
    %get3A_87 = vector.load %arg1[%get3A_84, %get3A_85, %get3A_86] : memref<1x576x576xf32, #tpu.memory_space<vmem>>, vector<1x96x576xf32>
    %get3A_88 = vector.shape_cast %get3A_87 : vector<1x96x576xf32> to vector<96x576xf32>
    %slice3A_89 = vector.extract_strided_slice %broadcast_in_dim3A {offsets = [0, 96], sizes = [1, 96], strides = [1, 1]} : vector<1x576xf32> to vector<1x96xf32>
    %squeeze3A_90 = vector.shape_cast %slice3A_89 : vector<1x96xf32> to vector<96xf32>
    %broadcast_in_dim3A_91 = vector.shape_cast %squeeze3A_90 : vector<96xf32> to vector<96x1xf32>
    %gt3A_92 = vector.broadcast %broadcast_in_dim3A : vector<1x576xf32> to vector<96x576xf32>
    %gt3A_93 = vector.broadcast %broadcast_in_dim3A_91 : vector<96x1xf32> to vector<96x576xf32>
    %gt3A_94 = arith.cmpf ogt, %gt3A_92, %gt3A_93 : vector<96x576xf32>
    %broadcast_in_dim3A_95 = vector.broadcast %max3A_63 : f32 to vector<96x576xf32>
    %select_n3A_96 = arith.select %gt3A_94, %get3A_88, %broadcast_in_dim3A_95 : vector<96x576xi1>, vector<96x576xf32>
    %reduce_min3A_97 = arith.constant dense<0x7F800000> : vector<96xf32>
    %reduce_min3A_98 = vector.multi_reduction <minimumf>, %select_n3A_96, %reduce_min3A_97 [1] : vector<96x576xf32> to vector<96xf32>
    %mul3A_99 = arith.mulf %reduce_min3A_98, %squeeze3A_90 : vector<96xf32>
    %swap3A_100 = arith.constant 0 : index
    %swap3A_101 = arith.constant 0 : index
    %swap3A_102 = arith.constant 96 : index
    %swap3A_103 = vector.load %arg3[%swap3A_100, %swap3A_101, %swap3A_102] : memref<1x3x576xf32, #tpu.memory_space<vmem>>, vector<1x1x96xf32>
    %swap3A_104 = vector.shape_cast %swap3A_103 : vector<1x1x96xf32> to vector<96xf32>
    %swap3A_105 = vector.shape_cast %mul3A_99 : vector<96xf32> to vector<1x1x96xf32>
    tpu.vector_store %arg3[%swap3A_100, %swap3A_101, %swap3A_102], %swap3A_105 {strides = array<i32>} : memref<1x3x576xf32, #tpu.memory_space<vmem>>, vector<1x1x96xf32>,
    %get3A_106 = arith.constant 0 : index
    %get3A_107 = arith.constant 192 : index
    %get3A_108 = arith.constant 0 : index
    %get3A_109 = vector.load %arg1[%get3A_106, %get3A_107, %get3A_108] : memref<1x576x576xf32, #tpu.memory_space<vmem>>, vector<1x96x576xf32>
    %get3A_110 = vector.shape_cast %get3A_109 : vector<1x96x576xf32> to vector<96x576xf32>
    %slice3A_111 = vector.extract_strided_slice %broadcast_in_dim3A {offsets = [0, 192], sizes = [1, 96], strides = [1, 1]} : vector<1x576xf32> to vector<1x96xf32>
    %squeeze3A_112 = vector.shape_cast %slice3A_111 : vector<1x96xf32> to vector<96xf32>
    %broadcast_in_dim3A_113 = vector.shape_cast %squeeze3A_112 : vector<96xf32> to vector<96x1xf32>
    %gt3A_114 = vector.broadcast %broadcast_in_dim3A : vector<1x576xf32> to vector<96x576xf32>
    %gt3A_115 = vector.broadcast %broadcast_in_dim3A_113 : vector<96x1xf32> to vector<96x576xf32>
    %gt3A_116 = arith.cmpf ogt, %gt3A_114, %gt3A_115 : vector<96x576xf32>
    %broadcast_in_dim3A_117 = vector.broadcast %max3A_63 : f32 to vector<96x576xf32>
    %select_n3A_118 = arith.select %gt3A_116, %get3A_110, %broadcast_in_dim3A_117 : vector<96x576xi1>, vector<96x576xf32>
    %reduce_min3A_119 = arith.constant dense<0x7F800000> : vector<96xf32>
    %reduce_min3A_120 = vector.multi_reduction <minimumf>, %select_n3A_118, %reduce_min3A_119 [1] : vector<96x576xf32> to vector<96xf32>
    %mul3A_121 = arith.mulf %reduce_min3A_120, %squeeze3A_112 : vector<96xf32>
    %swap3A_122 = arith.constant 0 : index
    %swap3A_123 = arith.constant 0 : index
    %swap3A_124 = arith.constant 192 : index
    %swap3A_125 = vector.load %arg3[%swap3A_122, %swap3A_123, %swap3A_124] : memref<1x3x576xf32, #tpu.memory_space<vmem>>, vector<1x1x96xf32>
    %swap3A_126 = vector.shape_cast %swap3A_125 : vector<1x1x96xf32> to vector<96xf32>
    %swap3A_127 = vector.shape_cast %mul3A_121 : vector<96xf32> to vector<1x1x96xf32>
    tpu.vector_store %arg3[%swap3A_122, %swap3A_123, %swap3A_124], %swap3A_127 {strides = array<i32>} : memref<1x3x576xf32, #tpu.memory_space<vmem>>, vector<1x1x96xf32>,
    %get3A_128 = arith.constant 0 : index
    %get3A_129 = arith.constant 288 : index
    %get3A_130 = arith.constant 0 : index
    %get3A_131 = vector.load %arg1[%get3A_128, %get3A_129, %get3A_130] : memref<1x576x576xf32, #tpu.memory_space<vmem>>, vector<1x96x576xf32>
    %get3A_132 = vector.shape_cast %get3A_131 : vector<1x96x576xf32> to vector<96x576xf32>
    %slice3A_133 = vector.extract_strided_slice %broadcast_in_dim3A {offsets = [0, 288], sizes = [1, 96], strides = [1, 1]} : vector<1x576xf32> to vector<1x96xf32>
    %squeeze3A_134 = vector.shape_cast %slice3A_133 : vector<1x96xf32> to vector<96xf32>
    %broadcast_in_dim3A_135 = vector.shape_cast %squeeze3A_134 : vector<96xf32> to vector<96x1xf32>
    %gt3A_136 = vector.broadcast %broadcast_in_dim3A : vector<1x576xf32> to vector<96x576xf32>
    %gt3A_137 = vector.broadcast %broadcast_in_dim3A_135 : vector<96x1xf32> to vector<96x576xf32>
    %gt3A_138 = arith.cmpf ogt, %gt3A_136, %gt3A_137 : vector<96x576xf32>
    %broadcast_in_dim3A_139 = vector.broadcast %max3A_63 : f32 to vector<96x576xf32>
    %select_n3A_140 = arith.select %gt3A_138, %get3A_132, %broadcast_in_dim3A_139 : vector<96x576xi1>, vector<96x576xf32>
    %reduce_min3A_141 = arith.constant dense<0x7F800000> : vector<96xf32>
    %reduce_min3A_142 = vector.multi_reduction <minimumf>, %select_n3A_140, %reduce_min3A_141 [1] : vector<96x576xf32> to vector<96xf32>
    %mul3A_143 = arith.mulf %reduce_min3A_142, %squeeze3A_134 : vector<96xf32>
    %swap3A_144 = arith.constant 0 : index
    %swap3A_145 = arith.constant 0 : index
    %swap3A_146 = arith.constant 288 : index
    %swap3A_147 = vector.load %arg3[%swap3A_144, %swap3A_145, %swap3A_146] : memref<1x3x576xf32, #tpu.memory_space<vmem>>, vector<1x1x96xf32>
    %swap3A_148 = vector.shape_cast %swap3A_147 : vector<1x1x96xf32> to vector<96xf32>
    %swap3A_149 = vector.shape_cast %mul3A_143 : vector<96xf32> to vector<1x1x96xf32>
    tpu.vector_store %arg3[%swap3A_144, %swap3A_145, %swap3A_146], %swap3A_149 {strides = array<i32>} : memref<1x3x576xf32, #tpu.memory_space<vmem>>, vector<1x1x96xf32>,
    %get3A_150 = arith.constant 0 : index
    %get3A_151 = arith.constant 384 : index
    %get3A_152 = arith.constant 0 : index
    %get3A_153 = vector.load %arg1[%get3A_150, %get3A_151, %get3A_152] : memref<1x576x576xf32, #tpu.memory_space<vmem>>, vector<1x96x576xf32>
    %get3A_154 = vector.shape_cast %get3A_153 : vector<1x96x576xf32> to vector<96x576xf32>
    %slice3A_155 = vector.extract_strided_slice %broadcast_in_dim3A {offsets = [0, 384], sizes = [1, 96], strides = [1, 1]} : vector<1x576xf32> to vector<1x96xf32>
    %squeeze3A_156 = vector.shape_cast %slice3A_155 : vector<1x96xf32> to vector<96xf32>
    %broadcast_in_dim3A_157 = vector.shape_cast %squeeze3A_156 : vector<96xf32> to vector<96x1xf32>
    %gt3A_158 = vector.broadcast %broadcast_in_dim3A : vector<1x576xf32> to vector<96x576xf32>
    %gt3A_159 = vector.broadcast %broadcast_in_dim3A_157 : vector<96x1xf32> to vector<96x576xf32>
    %gt3A_160 = arith.cmpf ogt, %gt3A_158, %gt3A_159 : vector<96x576xf32>
    %broadcast_in_dim3A_161 = vector.broadcast %max3A_63 : f32 to vector<96x576xf32>
    %select_n3A_162 = arith.select %gt3A_160, %get3A_154, %broadcast_in_dim3A_161 : vector<96x576xi1>, vector<96x576xf32>
    %reduce_min3A_163 = arith.constant dense<0x7F800000> : vector<96xf32>
    %reduce_min3A_164 = vector.multi_reduction <minimumf>, %select_n3A_162, %reduce_min3A_163 [1] : vector<96x576xf32> to vector<96xf32>
    %mul3A_165 = arith.mulf %reduce_min3A_164, %squeeze3A_156 : vector<96xf32>
    %swap3A_166 = arith.constant 0 : index
    %swap3A_167 = arith.constant 0 : index
    %swap3A_168 = arith.constant 384 : index
    %swap3A_169 = vector.load %arg3[%swap3A_166, %swap3A_167, %swap3A_168] : memref<1x3x576xf32, #tpu.memory_space<vmem>>, vector<1x1x96xf32>
    %swap3A_170 = vector.shape_cast %swap3A_169 : vector<1x1x96xf32> to vector<96xf32>
    %swap3A_171 = vector.shape_cast %mul3A_165 : vector<96xf32> to vector<1x1x96xf32>
    tpu.vector_store %arg3[%swap3A_166, %swap3A_167, %swap3A_168], %swap3A_171 {strides = array<i32>} : memref<1x3x576xf32, #tpu.memory_space<vmem>>, vector<1x1x96xf32>,
    %get3A_172 = arith.constant 0 : index
    %get3A_173 = arith.constant 480 : index
    %get3A_174 = arith.constant 0 : index
    %get3A_175 = vector.load %arg1[%get3A_172, %get3A_173, %get3A_174] : memref<1x576x576xf32, #tpu.memory_space<vmem>>, vector<1x96x576xf32>
    %get3A_176 = vector.shape_cast %get3A_175 : vector<1x96x576xf32> to vector<96x576xf32>
    %slice3A_177 = vector.extract_strided_slice %broadcast_in_dim3A {offsets = [0, 480], sizes = [1, 96], strides = [1, 1]} : vector<1x576xf32> to vector<1x96xf32>
    %squeeze3A_178 = vector.shape_cast %slice3A_177 : vector<1x96xf32> to vector<96xf32>
    %broadcast_in_dim3A_179 = vector.shape_cast %squeeze3A_178 : vector<96xf32> to vector<96x1xf32>
    %gt3A_180 = vector.broadcast %broadcast_in_dim3A : vector<1x576xf32> to vector<96x576xf32>
    %gt3A_181 = vector.broadcast %broadcast_in_dim3A_179 : vector<96x1xf32> to vector<96x576xf32>
    %gt3A_182 = arith.cmpf ogt, %gt3A_180, %gt3A_181 : vector<96x576xf32>
    %broadcast_in_dim3A_183 = vector.broadcast %max3A_63 : f32 to vector<96x576xf32>
    %select_n3A_184 = arith.select %gt3A_182, %get3A_176, %broadcast_in_dim3A_183 : vector<96x576xi1>, vector<96x576xf32>
    %reduce_min3A_185 = arith.constant dense<0x7F800000> : vector<96xf32>
    %reduce_min3A_186 = vector.multi_reduction <minimumf>, %select_n3A_184, %reduce_min3A_185 [1] : vector<96x576xf32> to vector<96xf32>
    %mul3A_187 = arith.mulf %reduce_min3A_186, %squeeze3A_178 : vector<96xf32>
    %swap3A_188 = arith.constant 0 : index
    %swap3A_189 = arith.constant 0 : index
    %swap3A_190 = arith.constant 480 : index
    %swap3A_191 = vector.load %arg3[%swap3A_188, %swap3A_189, %swap3A_190] : memref<1x3x576xf32, #tpu.memory_space<vmem>>, vector<1x1x96xf32>
    %swap3A_192 = vector.shape_cast %swap3A_191 : vector<1x1x96xf32> to vector<96xf32>
    %swap3A_193 = vector.shape_cast %mul3A_187 : vector<96xf32> to vector<1x1x96xf32>
    tpu.vector_store %arg3[%swap3A_188, %swap3A_189, %swap3A_190], %swap3A_193 {strides = array<i32>} : memref<1x3x576xf32, #tpu.memory_space<vmem>>, vector<1x1x96xf32>,
    %get3A_194 = arith.constant 0 : index
    %get3A_195 = arith.constant 1 : index
    %get3A_196 = arith.constant 0 : index
    %get3A_197 = vector.load %arg2[%get3A_194, %get3A_195, %get3A_196] : memref<1x3x576xf32, #tpu.memory_space<vmem>>, vector<1x1x576xf32>
    %get3A_198 = vector.shape_cast %get3A_197 : vector<1x1x576xf32> to vector<576xf32>
    %broadcast_in_dim3A_199 = vector.shape_cast %get3A_198 : vector<576xf32> to vector<1x576xf32>
    %get3A_200 = arith.constant 0 : index
    %get3A_201 = arith.constant 0 : index
    %get3A_202 = arith.constant 0 : index
    %get3A_203 = vector.load %arg1[%get3A_200, %get3A_201, %get3A_202] : memref<1x576x576xf32, #tpu.memory_space<vmem>>, vector<1x96x576xf32>
    %get3A_204 = vector.shape_cast %get3A_203 : vector<1x96x576xf32> to vector<96x576xf32>
    %slice3A_205 = vector.extract_strided_slice %broadcast_in_dim3A_199 {offsets = [0, 0], sizes = [1, 96], strides = [1, 1]} : vector<1x576xf32> to vector<1x96xf32>
    %squeeze3A_206 = vector.shape_cast %slice3A_205 : vector<1x96xf32> to vector<96xf32>
    %broadcast_in_dim3A_207 = vector.shape_cast %squeeze3A_206 : vector<96xf32> to vector<96x1xf32>
    %gt3A_208 = vector.broadcast %broadcast_in_dim3A_199 : vector<1x576xf32> to vector<96x576xf32>
    %gt3A_209 = vector.broadcast %broadcast_in_dim3A_207 : vector<96x1xf32> to vector<96x576xf32>
    %gt3A_210 = arith.cmpf ogt, %gt3A_208, %gt3A_209 : vector<96x576xf32>
    %broadcast_in_dim3A_211 = vector.broadcast %max3A_63 : f32 to vector<96x576xf32>
    %select_n3A_212 = arith.select %gt3A_210, %get3A_204, %broadcast_in_dim3A_211 : vector<96x576xi1>, vector<96x576xf32>
    %reduce_min3A_213 = arith.constant dense<0x7F800000> : vector<96xf32>
    %reduce_min3A_214 = vector.multi_reduction <minimumf>, %select_n3A_212, %reduce_min3A_213 [1] : vector<96x576xf32> to vector<96xf32>
    %mul3A_215 = arith.mulf %reduce_min3A_214, %squeeze3A_206 : vector<96xf32>
    %swap3A_216 = arith.constant 0 : index
    %swap3A_217 = arith.constant 1 : index
    %swap3A_218 = arith.constant 0 : index
    %swap3A_219 = vector.load %arg3[%swap3A_216, %swap3A_217, %swap3A_218] : memref<1x3x576xf32, #tpu.memory_space<vmem>>, vector<1x1x96xf32>
    %swap3A_220 = vector.shape_cast %swap3A_219 : vector<1x1x96xf32> to vector<96xf32>
    %swap3A_221 = vector.shape_cast %mul3A_215 : vector<96xf32> to vector<1x1x96xf32>
    tpu.vector_store %arg3[%swap3A_216, %swap3A_217, %swap3A_218], %swap3A_221 {strides = array<i32>} : memref<1x3x576xf32, #tpu.memory_space<vmem>>, vector<1x1x96xf32>,
    %get3A_222 = arith.constant 0 : index
    %get3A_223 = arith.constant 96 : index
    %get3A_224 = arith.constant 0 : index
    %get3A_225 = vector.load %arg1[%get3A_222, %get3A_223, %get3A_224] : memref<1x576x576xf32, #tpu.memory_space<vmem>>, vector<1x96x576xf32>
    %get3A_226 = vector.shape_cast %get3A_225 : vector<1x96x576xf32> to vector<96x576xf32>
    %slice3A_227 = vector.extract_strided_slice %broadcast_in_dim3A_199 {offsets = [0, 96], sizes = [1, 96], strides = [1, 1]} : vector<1x576xf32> to vector<1x96xf32>
    %squeeze3A_228 = vector.shape_cast %slice3A_227 : vector<1x96xf32> to vector<96xf32>
    %broadcast_in_dim3A_229 = vector.shape_cast %squeeze3A_228 : vector<96xf32> to vector<96x1xf32>
    %gt3A_230 = vector.broadcast %broadcast_in_dim3A_199 : vector<1x576xf32> to vector<96x576xf32>
    %gt3A_231 = vector.broadcast %broadcast_in_dim3A_229 : vector<96x1xf32> to vector<96x576xf32>
    %gt3A_232 = arith.cmpf ogt, %gt3A_230, %gt3A_231 : vector<96x576xf32>
    %broadcast_in_dim3A_233 = vector.broadcast %max3A_63 : f32 to vector<96x576xf32>
    %select_n3A_234 = arith.select %gt3A_232, %get3A_226, %broadcast_in_dim3A_233 : vector<96x576xi1>, vector<96x576xf32>
    %reduce_min3A_235 = arith.constant dense<0x7F800000> : vector<96xf32>
    %reduce_min3A_236 = vector.multi_reduction <minimumf>, %select_n3A_234, %reduce_min3A_235 [1] : vector<96x576xf32> to vector<96xf32>
    %mul3A_237 = arith.mulf %reduce_min3A_236, %squeeze3A_228 : vector<96xf32>
    %swap3A_238 = arith.constant 0 : index
    %swap3A_239 = arith.constant 1 : index
    %swap3A_240 = arith.constant 96 : index
    %swap3A_241 = vector.load %arg3[%swap3A_238, %swap3A_239, %swap3A_240] : memref<1x3x576xf32, #tpu.memory_space<vmem>>, vector<1x1x96xf32>
    %swap3A_242 = vector.shape_cast %swap3A_241 : vector<1x1x96xf32> to vector<96xf32>
    %swap3A_243 = vector.shape_cast %mul3A_237 : vector<96xf32> to vector<1x1x96xf32>
    tpu.vector_store %arg3[%swap3A_238, %swap3A_239, %swap3A_240], %swap3A_243 {strides = array<i32>} : memref<1x3x576xf32, #tpu.memory_space<vmem>>, vector<1x1x96xf32>,
    %get3A_244 = arith.constant 0 : index
    %get3A_245 = arith.constant 192 : index
    %get3A_246 = arith.constant 0 : index
    %get3A_247 = vector.load %arg1[%get3A_244, %get3A_245, %get3A_246] : memref<1x576x576xf32, #tpu.memory_space<vmem>>, vector<1x96x576xf32>
    %get3A_248 = vector.shape_cast %get3A_247 : vector<1x96x576xf32> to vector<96x576xf32>
    %slice3A_249 = vector.extract_strided_slice %broadcast_in_dim3A_199 {offsets = [0, 192], sizes = [1, 96], strides = [1, 1]} : vector<1x576xf32> to vector<1x96xf32>
    %squeeze3A_250 = vector.shape_cast %slice3A_249 : vector<1x96xf32> to vector<96xf32>
    %broadcast_in_dim3A_251 = vector.shape_cast %squeeze3A_250 : vector<96xf32> to vector<96x1xf32>
    %gt3A_252 = vector.broadcast %broadcast_in_dim3A_199 : vector<1x576xf32> to vector<96x576xf32>
    %gt3A_253 = vector.broadcast %broadcast_in_dim3A_251 : vector<96x1xf32> to vector<96x576xf32>
    %gt3A_254 = arith.cmpf ogt, %gt3A_252, %gt3A_253 : vector<96x576xf32>
    %broadcast_in_dim3A_255 = vector.broadcast %max3A_63 : f32 to vector<96x576xf32>
    %select_n3A_256 = arith.select %gt3A_254, %get3A_248, %broadcast_in_dim3A_255 : vector<96x576xi1>, vector<96x576xf32>
    %reduce_min3A_257 = arith.constant dense<0x7F800000> : vector<96xf32>
    %reduce_min3A_258 = vector.multi_reduction <minimumf>, %select_n3A_256, %reduce_min3A_257 [1] : vector<96x576xf32> to vector<96xf32>
    %mul3A_259 = arith.mulf %reduce_min3A_258, %squeeze3A_250 : vector<96xf32>
    %swap3A_260 = arith.constant 0 : index
    %swap3A_261 = arith.constant 1 : index
    %swap3A_262 = arith.constant 192 : index
    %swap3A_263 = vector.load %arg3[%swap3A_260, %swap3A_261, %swap3A_262] : memref<1x3x576xf32, #tpu.memory_space<vmem>>, vector<1x1x96xf32>
    %swap3A_264 = vector.shape_cast %swap3A_263 : vector<1x1x96xf32> to vector<96xf32>
    %swap3A_265 = vector.shape_cast %mul3A_259 : vector<96xf32> to vector<1x1x96xf32>
    tpu.vector_store %arg3[%swap3A_260, %swap3A_261, %swap3A_262], %swap3A_265 {strides = array<i32>} : memref<1x3x576xf32, #tpu.memory_space<vmem>>, vector<1x1x96xf32>,
    %get3A_266 = arith.constant 0 : index
    %get3A_267 = arith.constant 288 : index
    %get3A_268 = arith.constant 0 : index
    %get3A_269 = vector.load %arg1[%get3A_266, %get3A_267, %get3A_268] : memref<1x576x576xf32, #tpu.memory_space<vmem>>, vector<1x96x576xf32>
    %get3A_270 = vector.shape_cast %get3A_269 : vector<1x96x576xf32> to vector<96x576xf32>
    %slice3A_271 = vector.extract_strided_slice %broadcast_in_dim3A_199 {offsets = [0, 288], sizes = [1, 96], strides = [1, 1]} : vector<1x576xf32> to vector<1x96xf32>
    %squeeze3A_272 = vector.shape_cast %slice3A_271 : vector<1x96xf32> to vector<96xf32>
    %broadcast_in_dim3A_273 = vector.shape_cast %squeeze3A_272 : vector<96xf32> to vector<96x1xf32>
    %gt3A_274 = vector.broadcast %broadcast_in_dim3A_199 : vector<1x576xf32> to vector<96x576xf32>
    %gt3A_275 = vector.broadcast %broadcast_in_dim3A_273 : vector<96x1xf32> to vector<96x576xf32>
    %gt3A_276 = arith.cmpf ogt, %gt3A_274, %gt3A_275 : vector<96x576xf32>
    %broadcast_in_dim3A_277 = vector.broadcast %max3A_63 : f32 to vector<96x576xf32>
    %select_n3A_278 = arith.select %gt3A_276, %get3A_270, %broadcast_in_dim3A_277 : vector<96x576xi1>, vector<96x576xf32>
    %reduce_min3A_279 = arith.constant dense<0x7F800000> : vector<96xf32>
    %reduce_min3A_280 = vector.multi_reduction <minimumf>, %select_n3A_278, %reduce_min3A_279 [1] : vector<96x576xf32> to vector<96xf32>
    %mul3A_281 = arith.mulf %reduce_min3A_280, %squeeze3A_272 : vector<96xf32>
    %swap3A_282 = arith.constant 0 : index
    %swap3A_283 = arith.constant 1 : index
    %swap3A_284 = arith.constant 288 : index
    %swap3A_285 = vector.load %arg3[%swap3A_282, %swap3A_283, %swap3A_284] : memref<1x3x576xf32, #tpu.memory_space<vmem>>, vector<1x1x96xf32>
    %swap3A_286 = vector.shape_cast %swap3A_285 : vector<1x1x96xf32> to vector<96xf32>
    %swap3A_287 = vector.shape_cast %mul3A_281 : vector<96xf32> to vector<1x1x96xf32>
    tpu.vector_store %arg3[%swap3A_282, %swap3A_283, %swap3A_284], %swap3A_287 {strides = array<i32>} : memref<1x3x576xf32, #tpu.memory_space<vmem>>, vector<1x1x96xf32>,
    %get3A_288 = arith.constant 0 : index
    %get3A_289 = arith.constant 384 : index
    %get3A_290 = arith.constant 0 : index
    %get3A_291 = vector.load %arg1[%get3A_288, %get3A_289, %get3A_290] : memref<1x576x576xf32, #tpu.memory_space<vmem>>, vector<1x96x576xf32>
    %get3A_292 = vector.shape_cast %get3A_291 : vector<1x96x576xf32> to vector<96x576xf32>
    %slice3A_293 = vector.extract_strided_slice %broadcast_in_dim3A_199 {offsets = [0, 384], sizes = [1, 96], strides = [1, 1]} : vector<1x576xf32> to vector<1x96xf32>
    %squeeze3A_294 = vector.shape_cast %slice3A_293 : vector<1x96xf32> to vector<96xf32>
    %broadcast_in_dim3A_295 = vector.shape_cast %squeeze3A_294 : vector<96xf32> to vector<96x1xf32>
    %gt3A_296 = vector.broadcast %broadcast_in_dim3A_199 : vector<1x576xf32> to vector<96x576xf32>
    %gt3A_297 = vector.broadcast %broadcast_in_dim3A_295 : vector<96x1xf32> to vector<96x576xf32>
    %gt3A_298 = arith.cmpf ogt, %gt3A_296, %gt3A_297 : vector<96x576xf32>
    %broadcast_in_dim3A_299 = vector.broadcast %max3A_63 : f32 to vector<96x576xf32>
    %select_n3A_300 = arith.select %gt3A_298, %get3A_292, %broadcast_in_dim3A_299 : vector<96x576xi1>, vector<96x576xf32>
    %reduce_min3A_301 = arith.constant dense<0x7F800000> : vector<96xf32>
    %reduce_min3A_302 = vector.multi_reduction <minimumf>, %select_n3A_300, %reduce_min3A_301 [1] : vector<96x576xf32> to vector<96xf32>
    %mul3A_303 = arith.mulf %reduce_min3A_302, %squeeze3A_294 : vector<96xf32>
    %swap3A_304 = arith.constant 0 : index
    %swap3A_305 = arith.constant 1 : index
    %swap3A_306 = arith.constant 384 : index
    %swap3A_307 = vector.load %arg3[%swap3A_304, %swap3A_305, %swap3A_306] : memref<1x3x576xf32, #tpu.memory_space<vmem>>, vector<1x1x96xf32>
    %swap3A_308 = vector.shape_cast %swap3A_307 : vector<1x1x96xf32> to vector<96xf32>
    %swap3A_309 = vector.shape_cast %mul3A_303 : vector<96xf32> to vector<1x1x96xf32>
    tpu.vector_store %arg3[%swap3A_304, %swap3A_305, %swap3A_306], %swap3A_309 {strides = array<i32>} : memref<1x3x576xf32, #tpu.memory_space<vmem>>, vector<1x1x96xf32>,
    %get3A_310 = arith.constant 0 : index
    %get3A_311 = arith.constant 480 : index
    %get3A_312 = arith.constant 0 : index
    %get3A_313 = vector.load %arg1[%get3A_310, %get3A_311, %get3A_312] : memref<1x576x576xf32, #tpu.memory_space<vmem>>, vector<1x96x576xf32>
    %get3A_314 = vector.shape_cast %get3A_313 : vector<1x96x576xf32> to vector<96x576xf32>
    %slice3A_315 = vector.extract_strided_slice %broadcast_in_dim3A_199 {offsets = [0, 480], sizes = [1, 96], strides = [1, 1]} : vector<1x576xf32> to vector<1x96xf32>
    %squeeze3A_316 = vector.shape_cast %slice3A_315 : vector<1x96xf32> to vector<96xf32>
    %broadcast_in_dim3A_317 = vector.shape_cast %squeeze3A_316 : vector<96xf32> to vector<96x1xf32>
    %gt3A_318 = vector.broadcast %broadcast_in_dim3A_199 : vector<1x576xf32> to vector<96x576xf32>
    %gt3A_319 = vector.broadcast %broadcast_in_dim3A_317 : vector<96x1xf32> to vector<96x576xf32>
    %gt3A_320 = arith.cmpf ogt, %gt3A_318, %gt3A_319 : vector<96x576xf32>
    %broadcast_in_dim3A_321 = vector.broadcast %max3A_63 : f32 to vector<96x576xf32>
    %select_n3A_322 = arith.select %gt3A_320, %get3A_314, %broadcast_in_dim3A_321 : vector<96x576xi1>, vector<96x576xf32>
    %reduce_min3A_323 = arith.constant dense<0x7F800000> : vector<96xf32>
    %reduce_min3A_324 = vector.multi_reduction <minimumf>, %select_n3A_322, %reduce_min3A_323 [1] : vector<96x576xf32> to vector<96xf32>
    %mul3A_325 = arith.mulf %reduce_min3A_324, %squeeze3A_316 : vector<96xf32>
    %swap3A_326 = arith.constant 0 : index
    %swap3A_327 = arith.constant 1 : index
    %swap3A_328 = arith.constant 480 : index
    %swap3A_329 = vector.load %arg3[%swap3A_326, %swap3A_327, %swap3A_328] : memref<1x3x576xf32, #tpu.memory_space<vmem>>, vector<1x1x96xf32>
    %swap3A_330 = vector.shape_cast %swap3A_329 : vector<1x1x96xf32> to vector<96xf32>
    %swap3A_331 = vector.shape_cast %mul3A_325 : vector<96xf32> to vector<1x1x96xf32>
    tpu.vector_store %arg3[%swap3A_326, %swap3A_327, %swap3A_328], %swap3A_331 {strides = array<i32>} : memref<1x3x576xf32, #tpu.memory_space<vmem>>, vector<1x1x96xf32>,
    %get3A_332 = arith.constant 0 : index
    %get3A_333 = arith.constant 2 : index
    %get3A_334 = arith.constant 0 : index
    %get3A_335 = vector.load %arg2[%get3A_332, %get3A_333, %get3A_334] : memref<1x3x576xf32, #tpu.memory_space<vmem>>, vector<1x1x576xf32>
    %get3A_336 = vector.shape_cast %get3A_335 : vector<1x1x576xf32> to vector<576xf32>
    %broadcast_in_dim3A_337 = vector.shape_cast %get3A_336 : vector<576xf32> to vector<1x576xf32>
    %get3A_338 = arith.constant 0 : index
    %get3A_339 = arith.constant 0 : index
    %get3A_340 = arith.constant 0 : index
    %get3A_341 = vector.load %arg1[%get3A_338, %get3A_339, %get3A_340] : memref<1x576x576xf32, #tpu.memory_space<vmem>>, vector<1x96x576xf32>
    %get3A_342 = vector.shape_cast %get3A_341 : vector<1x96x576xf32> to vector<96x576xf32>
    %slice3A_343 = vector.extract_strided_slice %broadcast_in_dim3A_337 {offsets = [0, 0], sizes = [1, 96], strides = [1, 1]} : vector<1x576xf32> to vector<1x96xf32>
    %squeeze3A_344 = vector.shape_cast %slice3A_343 : vector<1x96xf32> to vector<96xf32>
    %broadcast_in_dim3A_345 = vector.shape_cast %squeeze3A_344 : vector<96xf32> to vector<96x1xf32>
    %gt3A_346 = vector.broadcast %broadcast_in_dim3A_337 : vector<1x576xf32> to vector<96x576xf32>
    %gt3A_347 = vector.broadcast %broadcast_in_dim3A_345 : vector<96x1xf32> to vector<96x576xf32>
    %gt3A_348 = arith.cmpf ogt, %gt3A_346, %gt3A_347 : vector<96x576xf32>
    %broadcast_in_dim3A_349 = vector.broadcast %max3A_63 : f32 to vector<96x576xf32>
    %select_n3A_350 = arith.select %gt3A_348, %get3A_342, %broadcast_in_dim3A_349 : vector<96x576xi1>, vector<96x576xf32>
    %reduce_min3A_351 = arith.constant dense<0x7F800000> : vector<96xf32>
    %reduce_min3A_352 = vector.multi_reduction <minimumf>, %select_n3A_350, %reduce_min3A_351 [1] : vector<96x576xf32> to vector<96xf32>
    %mul3A_353 = arith.mulf %reduce_min3A_352, %squeeze3A_344 : vector<96xf32>
    %swap3A_354 = arith.constant 0 : index
    %swap3A_355 = arith.constant 2 : index
    %swap3A_356 = arith.constant 0 : index
    %swap3A_357 = vector.load %arg3[%swap3A_354, %swap3A_355, %swap3A_356] : memref<1x3x576xf32, #tpu.memory_space<vmem>>, vector<1x1x96xf32>
    %swap3A_358 = vector.shape_cast %swap3A_357 : vector<1x1x96xf32> to vector<96xf32>
    %swap3A_359 = vector.shape_cast %mul3A_353 : vector<96xf32> to vector<1x1x96xf32>
    tpu.vector_store %arg3[%swap3A_354, %swap3A_355, %swap3A_356], %swap3A_359 {strides = array<i32>} : memref<1x3x576xf32, #tpu.memory_space<vmem>>, vector<1x1x96xf32>,
    %get3A_360 = arith.constant 0 : index
    %get3A_361 = arith.constant 96 : index
    %get3A_362 = arith.constant 0 : index
    %get3A_363 = vector.load %arg1[%get3A_360, %get3A_361, %get3A_362] : memref<1x576x576xf32, #tpu.memory_space<vmem>>, vector<1x96x576xf32>
    %get3A_364 = vector.shape_cast %get3A_363 : vector<1x96x576xf32> to vector<96x576xf32>
    %slice3A_365 = vector.extract_strided_slice %broadcast_in_dim3A_337 {offsets = [0, 96], sizes = [1, 96], strides = [1, 1]} : vector<1x576xf32> to vector<1x96xf32>
    %squeeze3A_366 = vector.shape_cast %slice3A_365 : vector<1x96xf32> to vector<96xf32>
    %broadcast_in_dim3A_367 = vector.shape_cast %squeeze3A_366 : vector<96xf32> to vector<96x1xf32>
    %gt3A_368 = vector.broadcast %broadcast_in_dim3A_337 : vector<1x576xf32> to vector<96x576xf32>
    %gt3A_369 = vector.broadcast %broadcast_in_dim3A_367 : vector<96x1xf32> to vector<96x576xf32>
    %gt3A_370 = arith.cmpf ogt, %gt3A_368, %gt3A_369 : vector<96x576xf32>
    %broadcast_in_dim3A_371 = vector.broadcast %max3A_63 : f32 to vector<96x576xf32>
    %select_n3A_372 = arith.select %gt3A_370, %get3A_364, %broadcast_in_dim3A_371 : vector<96x576xi1>, vector<96x576xf32>
    %reduce_min3A_373 = arith.constant dense<0x7F800000> : vector<96xf32>
    %reduce_min3A_374 = vector.multi_reduction <minimumf>, %select_n3A_372, %reduce_min3A_373 [1] : vector<96x576xf32> to vector<96xf32>
    %mul3A_375 = arith.mulf %reduce_min3A_374, %squeeze3A_366 : vector<96xf32>
    %swap3A_376 = arith.constant 0 : index
    %swap3A_377 = arith.constant 2 : index
    %swap3A_378 = arith.constant 96 : index
    %swap3A_379 = vector.load %arg3[%swap3A_376, %swap3A_377, %swap3A_378] : memref<1x3x576xf32, #tpu.memory_space<vmem>>, vector<1x1x96xf32>
    %swap3A_380 = vector.shape_cast %swap3A_379 : vector<1x1x96xf32> to vector<96xf32>
    %swap3A_381 = vector.shape_cast %mul3A_375 : vector<96xf32> to vector<1x1x96xf32>
    tpu.vector_store %arg3[%swap3A_376, %swap3A_377, %swap3A_378], %swap3A_381 {strides = array<i32>} : memref<1x3x576xf32, #tpu.memory_space<vmem>>, vector<1x1x96xf32>,
    %get3A_382 = arith.constant 0 : index
    %get3A_383 = arith.constant 192 : index
    %get3A_384 = arith.constant 0 : index
    %get3A_385 = vector.load %arg1[%get3A_382, %get3A_383, %get3A_384] : memref<1x576x576xf32, #tpu.memory_space<vmem>>, vector<1x96x576xf32>
    %get3A_386 = vector.shape_cast %get3A_385 : vector<1x96x576xf32> to vector<96x576xf32>
    %slice3A_387 = vector.extract_strided_slice %broadcast_in_dim3A_337 {offsets = [0, 192], sizes = [1, 96], strides = [1, 1]} : vector<1x576xf32> to vector<1x96xf32>
    %squeeze3A_388 = vector.shape_cast %slice3A_387 : vector<1x96xf32> to vector<96xf32>
    %broadcast_in_dim3A_389 = vector.shape_cast %squeeze3A_388 : vector<96xf32> to vector<96x1xf32>
    %gt3A_390 = vector.broadcast %broadcast_in_dim3A_337 : vector<1x576xf32> to vector<96x576xf32>
    %gt3A_391 = vector.broadcast %broadcast_in_dim3A_389 : vector<96x1xf32> to vector<96x576xf32>
    %gt3A_392 = arith.cmpf ogt, %gt3A_390, %gt3A_391 : vector<96x576xf32>
    %broadcast_in_dim3A_393 = vector.broadcast %max3A_63 : f32 to vector<96x576xf32>
    %select_n3A_394 = arith.select %gt3A_392, %get3A_386, %broadcast_in_dim3A_393 : vector<96x576xi1>, vector<96x576xf32>
    %reduce_min3A_395 = arith.constant dense<0x7F800000> : vector<96xf32>
    %reduce_min3A_396 = vector.multi_reduction <minimumf>, %select_n3A_394, %reduce_min3A_395 [1] : vector<96x576xf32> to vector<96xf32>
    %mul3A_397 = arith.mulf %reduce_min3A_396, %squeeze3A_388 : vector<96xf32>
    %swap3A_398 = arith.constant 0 : index
    %swap3A_399 = arith.constant 2 : index
    %swap3A_400 = arith.constant 192 : index
    %swap3A_401 = vector.load %arg3[%swap3A_398, %swap3A_399, %swap3A_400] : memref<1x3x576xf32, #tpu.memory_space<vmem>>, vector<1x1x96xf32>
    %swap3A_402 = vector.shape_cast %swap3A_401 : vector<1x1x96xf32> to vector<96xf32>
    %swap3A_403 = vector.shape_cast %mul3A_397 : vector<96xf32> to vector<1x1x96xf32>
    tpu.vector_store %arg3[%swap3A_398, %swap3A_399, %swap3A_400], %swap3A_403 {strides = array<i32>} : memref<1x3x576xf32, #tpu.memory_space<vmem>>, vector<1x1x96xf32>,
    %get3A_404 = arith.constant 0 : index
    %get3A_405 = arith.constant 288 : index
    %get3A_406 = arith.constant 0 : index
    %get3A_407 = vector.load %arg1[%get3A_404, %get3A_405, %get3A_406] : memref<1x576x576xf32, #tpu.memory_space<vmem>>, vector<1x96x576xf32>
    %get3A_408 = vector.shape_cast %get3A_407 : vector<1x96x576xf32> to vector<96x576xf32>
    %slice3A_409 = vector.extract_strided_slice %broadcast_in_dim3A_337 {offsets = [0, 288], sizes = [1, 96], strides = [1, 1]} : vector<1x576xf32> to vector<1x96xf32>
    %squeeze3A_410 = vector.shape_cast %slice3A_409 : vector<1x96xf32> to vector<96xf32>
    %broadcast_in_dim3A_411 = vector.shape_cast %squeeze3A_410 : vector<96xf32> to vector<96x1xf32>
    %gt3A_412 = vector.broadcast %broadcast_in_dim3A_337 : vector<1x576xf32> to vector<96x576xf32>
    %gt3A_413 = vector.broadcast %broadcast_in_dim3A_411 : vector<96x1xf32> to vector<96x576xf32>
    %gt3A_414 = arith.cmpf ogt, %gt3A_412, %gt3A_413 : vector<96x576xf32>
    %broadcast_in_dim3A_415 = vector.broadcast %max3A_63 : f32 to vector<96x576xf32>
    %select_n3A_416 = arith.select %gt3A_414, %get3A_408, %broadcast_in_dim3A_415 : vector<96x576xi1>, vector<96x576xf32>
    %reduce_min3A_417 = arith.constant dense<0x7F800000> : vector<96xf32>
    %reduce_min3A_418 = vector.multi_reduction <minimumf>, %select_n3A_416, %reduce_min3A_417 [1] : vector<96x576xf32> to vector<96xf32>
    %mul3A_419 = arith.mulf %reduce_min3A_418, %squeeze3A_410 : vector<96xf32>
    %swap3A_420 = arith.constant 0 : index
    %swap3A_421 = arith.constant 2 : index
    %swap3A_422 = arith.constant 288 : index
    %swap3A_423 = vector.load %arg3[%swap3A_420, %swap3A_421, %swap3A_422] : memref<1x3x576xf32, #tpu.memory_space<vmem>>, vector<1x1x96xf32>
    %swap3A_424 = vector.shape_cast %swap3A_423 : vector<1x1x96xf32> to vector<96xf32>
    %swap3A_425 = vector.shape_cast %mul3A_419 : vector<96xf32> to vector<1x1x96xf32>
    tpu.vector_store %arg3[%swap3A_420, %swap3A_421, %swap3A_422], %swap3A_425 {strides = array<i32>} : memref<1x3x576xf32, #tpu.memory_space<vmem>>, vector<1x1x96xf32>,
    %get3A_426 = arith.constant 0 : index
    %get3A_427 = arith.constant 384 : index
    %get3A_428 = arith.constant 0 : index
    %get3A_429 = vector.load %arg1[%get3A_426, %get3A_427, %get3A_428] : memref<1x576x576xf32, #tpu.memory_space<vmem>>, vector<1x96x576xf32>
    %get3A_430 = vector.shape_cast %get3A_429 : vector<1x96x576xf32> to vector<96x576xf32>
    %slice3A_431 = vector.extract_strided_slice %broadcast_in_dim3A_337 {offsets = [0, 384], sizes = [1, 96], strides = [1, 1]} : vector<1x576xf32> to vector<1x96xf32>
    %squeeze3A_432 = vector.shape_cast %slice3A_431 : vector<1x96xf32> to vector<96xf32>
    %broadcast_in_dim3A_433 = vector.shape_cast %squeeze3A_432 : vector<96xf32> to vector<96x1xf32>
    %gt3A_434 = vector.broadcast %broadcast_in_dim3A_337 : vector<1x576xf32> to vector<96x576xf32>
    %gt3A_435 = vector.broadcast %broadcast_in_dim3A_433 : vector<96x1xf32> to vector<96x576xf32>
    %gt3A_436 = arith.cmpf ogt, %gt3A_434, %gt3A_435 : vector<96x576xf32>
    %broadcast_in_dim3A_437 = vector.broadcast %max3A_63 : f32 to vector<96x576xf32>
    %select_n3A_438 = arith.select %gt3A_436, %get3A_430, %broadcast_in_dim3A_437 : vector<96x576xi1>, vector<96x576xf32>
    %reduce_min3A_439 = arith.constant dense<0x7F800000> : vector<96xf32>
    %reduce_min3A_440 = vector.multi_reduction <minimumf>, %select_n3A_438, %reduce_min3A_439 [1] : vector<96x576xf32> to vector<96xf32>
    %mul3A_441 = arith.mulf %reduce_min3A_440, %squeeze3A_432 : vector<96xf32>
    %swap3A_442 = arith.constant 0 : index
    %swap3A_443 = arith.constant 2 : index
    %swap3A_444 = arith.constant 384 : index
    %swap3A_445 = vector.load %arg3[%swap3A_442, %swap3A_443, %swap3A_444] : memref<1x3x576xf32, #tpu.memory_space<vmem>>, vector<1x1x96xf32>
    %swap3A_446 = vector.shape_cast %swap3A_445 : vector<1x1x96xf32> to vector<96xf32>
    %swap3A_447 = vector.shape_cast %mul3A_441 : vector<96xf32> to vector<1x1x96xf32>
    tpu.vector_store %arg3[%swap3A_442, %swap3A_443, %swap3A_444], %swap3A_447 {strides = array<i32>} : memref<1x3x576xf32, #tpu.memory_space<vmem>>, vector<1x1x96xf32>,
    %get3A_448 = arith.constant 0 : index
    %get3A_449 = arith.constant 480 : index
    %get3A_450 = arith.constant 0 : index
    %get3A_451 = vector.load %arg1[%get3A_448, %get3A_449, %get3A_450] : memref<1x576x576xf32, #tpu.memory_space<vmem>>, vector<1x96x576xf32>
    %get3A_452 = vector.shape_cast %get3A_451 : vector<1x96x576xf32> to vector<96x576xf32>
    %slice3A_453 = vector.extract_strided_slice %broadcast_in_dim3A_337 {offsets = [0, 480], sizes = [1, 96], strides = [1, 1]} : vector<1x576xf32> to vector<1x96xf32>
    %squeeze3A_454 = vector.shape_cast %slice3A_453 : vector<1x96xf32> to vector<96xf32>
    %broadcast_in_dim3A_455 = vector.shape_cast %squeeze3A_454 : vector<96xf32> to vector<96x1xf32>
    %gt3A_456 = vector.broadcast %broadcast_in_dim3A_337 : vector<1x576xf32> to vector<96x576xf32>
    %gt3A_457 = vector.broadcast %broadcast_in_dim3A_455 : vector<96x1xf32> to vector<96x576xf32>
    %gt3A_458 = arith.cmpf ogt, %gt3A_456, %gt3A_457 : vector<96x576xf32>
    %broadcast_in_dim3A_459 = vector.broadcast %max3A_63 : f32 to vector<96x576xf32>
    %select_n3A_460 = arith.select %gt3A_458, %get3A_452, %broadcast_in_dim3A_459 : vector<96x576xi1>, vector<96x576xf32>
    %reduce_min3A_461 = arith.constant dense<0x7F800000> : vector<96xf32>
    %reduce_min3A_462 = vector.multi_reduction <minimumf>, %select_n3A_460, %reduce_min3A_461 [1] : vector<96x576xf32> to vector<96xf32>
    %mul3A_463 = arith.mulf %reduce_min3A_462, %squeeze3A_454 : vector<96xf32>
    %swap3A_464 = arith.constant 0 : index
    %swap3A_465 = arith.constant 2 : index
    %swap3A_466 = arith.constant 480 : index
    %swap3A_467 = vector.load %arg3[%swap3A_464, %swap3A_465, %swap3A_466] : memref<1x3x576xf32, #tpu.memory_space<vmem>>, vector<1x1x96xf32>
    %swap3A_468 = vector.shape_cast %swap3A_467 : vector<1x1x96xf32> to vector<96xf32>
    %swap3A_469 = vector.shape_cast %mul3A_463 : vector<96xf32> to vector<1x1x96xf32>
    tpu.vector_store %arg3[%swap3A_464, %swap3A_465, %swap3A_466], %swap3A_469 {strides = array<i32>} : memref<1x3x576xf32, #tpu.memory_space<vmem>>, vector<1x1x96xf32>,
    return
  }
  func.func @transform_0(%arg0: i32) -> (i32, i32, i32) {
    %c0_i32 = arith.constant 0 : i32
    %c0_i32_0 = arith.constant 0 : i32
    %c0_i32_1 = arith.constant 0 : i32
    return %arg0, %c0_i32, %c0_i32_0 : i32, i32, i32
  }
  func.func @transform_1(%arg0: i32) -> (i32, i32, i32) {
    %c0_i32 = arith.constant 0 : i32
    %c0_i32_0 = arith.constant 0 : i32
    %c0_i32_1 = arith.constant 0 : i32
    return %arg0, %c0_i32, %c0_i32_0 : i32, i32, i32
  }
  func.func @transform_2(%arg0: i32) -> (i32, i32, i32) {
    %c0_i32 = arith.constant 0 : i32
    %c0_i32_0 = arith.constant 0 : i32
    %c0_i32_1 = arith.constant 0 : i32
    return %arg0, %c0_i32, %c0_i32_0 : i32, i32, i32
  }
}

module attributes {stable_mosaic.version = 14 : i64} {
  func.func @_stage2_body(%arg0: memref<32x3x576xf32, #tpu.memory_space<vmem>>, %arg1: memref<32x252xi32, #tpu.memory_space<vmem>>) attributes {dimension_semantics = [], scalar_prefetch = 0 : i64, scratch_operands = 0 : i64, tpu.core_type = #tpu.core_type<tc>} {
    %iota3A = tpu.iota {dimensions = array<i32: 1>} : vector<32x576xi32>
    %get3A = arith.constant 0 : index
    %get3A_0 = arith.constant 0 : index
    %get3A_1 = arith.constant 0 : index
    %get3A_2 = vector.load %arg0[%get3A, %get3A_0, %get3A_1] : memref<32x3x576xf32, #tpu.memory_space<vmem>>, vector<32x1x576xf32>
    %get3A_3 = vector.shape_cast %get3A_2 : vector<32x1x576xf32> to vector<32x576xf32>
    %iota3A_4 = tpu.iota {dimensions = array<i32: 1>} : vector<32x144xi32>
    %broadcast_in_dim3A = arith.constant 0 : i32
    %broadcast_in_dim3A_5 = vector.broadcast %broadcast_in_dim3A : i32 to vector<32x144xi32>
    %scan3A = arith.constant -3.400000e+38 : f32
    %scan3A_6 = arith.constant 0 : i32
    %scan3A_7 = arith.constant 144 : i32
    %scan3A_8 = arith.addi %scan3A_6, %scan3A_7 : i32
    %scan3A_9 = arith.constant 1 : i32
    %scan3A_10:2 = scf.for %scan3A_44 = %scan3A_6 to %scan3A_8 step %scan3A_9 iter_args(%scan3A_45 = %get3A_3, %scan3A_46 = %broadcast_in_dim3A_5) -> (vector<32x576xf32>, vector<32x144xi32>)  : i32 {
      %reduce_max3A = arith.constant dense<0xFF800000> : vector<32xf32>
      %reduce_max3A_47 = vector.multi_reduction <maximumf>, %scan3A_45, %reduce_max3A [1] : vector<32x576xf32> to vector<32xf32>
      %broadcast_in_dim3A_48 = vector.shape_cast %reduce_max3A_47 : vector<32xf32> to vector<32x1xf32>
      %eq3A = vector.broadcast %broadcast_in_dim3A_48 : vector<32x1xf32> to vector<32x576xf32>
      %eq3A_49 = arith.cmpf oeq, %scan3A_45, %eq3A : vector<32x576xf32>
      %jit3A = arith.constant 576 : i32
      %broadcast_in_dim3A_50 = vector.broadcast %jit3A : i32 to vector<32x576xi32>
      %select_n3A = arith.select %eq3A_49, %iota3A, %broadcast_in_dim3A_50 : vector<32x576xi1>, vector<32x576xi32>
      %reduce_min3A = arith.constant dense<2147483647> : vector<32xi32>
      %reduce_min3A_51 = vector.multi_reduction <minsi>, %select_n3A, %reduce_min3A [1] : vector<32x576xi32> to vector<32xi32>
      %broadcast_in_dim3A_52 = vector.shape_cast %reduce_min3A_51 : vector<32xi32> to vector<32x1xi32>
      %eq3A_53 = vector.broadcast %broadcast_in_dim3A_52 : vector<32x1xi32> to vector<32x576xi32>
      %eq3A_54 = arith.cmpi eq, %iota3A, %eq3A_53 : vector<32x576xi32>
      %broadcast_in_dim3A_55 = vector.broadcast %scan3A : f32 to vector<32x576xf32>
      %select_n3A_56 = arith.select %eq3A_54, %broadcast_in_dim3A_55, %scan3A_45 : vector<32x576xi1>, vector<32x576xf32>
      %eq3A_57 = vector.broadcast %scan3A_44 : i32 to vector<32x144xi32>
      %eq3A_58 = arith.cmpi eq, %iota3A_4, %eq3A_57 : vector<32x144xi32>
      %broadcast_in_dim3A_59 = vector.shape_cast %reduce_min3A_51 : vector<32xi32> to vector<32x1xi32>
      %broadcast_in_dim3A_60 = vector.shape_cast %broadcast_in_dim3A_59 : vector<32x1xi32> to vector<32x1xi32>
      %broadcast_in_dim3A_61 = vector.broadcast %broadcast_in_dim3A_60 : vector<32x1xi32> to vector<32x144xi32>
      %select_n3A_62 = arith.select %eq3A_58, %broadcast_in_dim3A_61, %scan3A_46 : vector<32x144xi1>, vector<32x144xi32>
      scf.yield %select_n3A_56, %select_n3A_62 : vector<32x576xf32>, vector<32x144xi32>
    }
    %scan3A_11 = arith.constant 144 : i32
    %get3A_12 = arith.constant 0 : index
    %get3A_13 = arith.constant 1 : index
    %get3A_14 = arith.constant 0 : index
    %get3A_15 = vector.load %arg0[%get3A_12, %get3A_13, %get3A_14] : memref<32x3x576xf32, #tpu.memory_space<vmem>>, vector<32x1x576xf32>
    %get3A_16 = vector.shape_cast %get3A_15 : vector<32x1x576xf32> to vector<32x576xf32>
    %iota3A_17 = tpu.iota {dimensions = array<i32: 1>} : vector<32x72xi32>
    %broadcast_in_dim3A_18 = arith.constant 0 : i32
    %broadcast_in_dim3A_19 = vector.broadcast %broadcast_in_dim3A_18 : i32 to vector<32x72xi32>
    %scan3A_20 = arith.constant -3.400000e+38 : f32
    %scan3A_21 = arith.constant 0 : i32
    %scan3A_22 = arith.constant 72 : i32
    %scan3A_23 = arith.addi %scan3A_21, %scan3A_22 : i32
    %scan3A_24 = arith.constant 1 : i32
    %scan3A_25:2 = scf.for %scan3A_44 = %scan3A_21 to %scan3A_23 step %scan3A_24 iter_args(%scan3A_45 = %get3A_16, %scan3A_46 = %broadcast_in_dim3A_19) -> (vector<32x576xf32>, vector<32x72xi32>)  : i32 {
      %reduce_max3A = arith.constant dense<0xFF800000> : vector<32xf32>
      %reduce_max3A_47 = vector.multi_reduction <maximumf>, %scan3A_45, %reduce_max3A [1] : vector<32x576xf32> to vector<32xf32>
      %broadcast_in_dim3A_48 = vector.shape_cast %reduce_max3A_47 : vector<32xf32> to vector<32x1xf32>
      %eq3A = vector.broadcast %broadcast_in_dim3A_48 : vector<32x1xf32> to vector<32x576xf32>
      %eq3A_49 = arith.cmpf oeq, %scan3A_45, %eq3A : vector<32x576xf32>
      %jit3A = arith.constant 576 : i32
      %broadcast_in_dim3A_50 = vector.broadcast %jit3A : i32 to vector<32x576xi32>
      %select_n3A = arith.select %eq3A_49, %iota3A, %broadcast_in_dim3A_50 : vector<32x576xi1>, vector<32x576xi32>
      %reduce_min3A = arith.constant dense<2147483647> : vector<32xi32>
      %reduce_min3A_51 = vector.multi_reduction <minsi>, %select_n3A, %reduce_min3A [1] : vector<32x576xi32> to vector<32xi32>
      %broadcast_in_dim3A_52 = vector.shape_cast %reduce_min3A_51 : vector<32xi32> to vector<32x1xi32>
      %eq3A_53 = vector.broadcast %broadcast_in_dim3A_52 : vector<32x1xi32> to vector<32x576xi32>
      %eq3A_54 = arith.cmpi eq, %iota3A, %eq3A_53 : vector<32x576xi32>
      %broadcast_in_dim3A_55 = vector.broadcast %scan3A_20 : f32 to vector<32x576xf32>
      %select_n3A_56 = arith.select %eq3A_54, %broadcast_in_dim3A_55, %scan3A_45 : vector<32x576xi1>, vector<32x576xf32>
      %eq3A_57 = vector.broadcast %scan3A_44 : i32 to vector<32x72xi32>
      %eq3A_58 = arith.cmpi eq, %iota3A_17, %eq3A_57 : vector<32x72xi32>
      %broadcast_in_dim3A_59 = vector.shape_cast %reduce_min3A_51 : vector<32xi32> to vector<32x1xi32>
      %broadcast_in_dim3A_60 = vector.shape_cast %broadcast_in_dim3A_59 : vector<32x1xi32> to vector<32x1xi32>
      %broadcast_in_dim3A_61 = vector.broadcast %broadcast_in_dim3A_60 : vector<32x1xi32> to vector<32x72xi32>
      %select_n3A_62 = arith.select %eq3A_58, %broadcast_in_dim3A_61, %scan3A_46 : vector<32x72xi1>, vector<32x72xi32>
      scf.yield %select_n3A_56, %select_n3A_62 : vector<32x576xf32>, vector<32x72xi32>
    }
    %scan3A_26 = arith.constant 72 : i32
    %get3A_27 = arith.constant 0 : index
    %get3A_28 = arith.constant 2 : index
    %get3A_29 = arith.constant 0 : index
    %get3A_30 = vector.load %arg0[%get3A_27, %get3A_28, %get3A_29] : memref<32x3x576xf32, #tpu.memory_space<vmem>>, vector<32x1x576xf32>
    %get3A_31 = vector.shape_cast %get3A_30 : vector<32x1x576xf32> to vector<32x576xf32>
    %iota3A_32 = tpu.iota {dimensions = array<i32: 1>} : vector<32x36xi32>
    %broadcast_in_dim3A_33 = arith.constant 0 : i32
    %broadcast_in_dim3A_34 = vector.broadcast %broadcast_in_dim3A_33 : i32 to vector<32x36xi32>
    %scan3A_35 = arith.constant -3.400000e+38 : f32
    %scan3A_36 = arith.constant 0 : i32
    %scan3A_37 = arith.constant 36 : i32
    %scan3A_38 = arith.addi %scan3A_36, %scan3A_37 : i32
    %scan3A_39 = arith.constant 1 : i32
    %scan3A_40:2 = scf.for %scan3A_44 = %scan3A_36 to %scan3A_38 step %scan3A_39 iter_args(%scan3A_45 = %get3A_31, %scan3A_46 = %broadcast_in_dim3A_34) -> (vector<32x576xf32>, vector<32x36xi32>)  : i32 {
      %reduce_max3A = arith.constant dense<0xFF800000> : vector<32xf32>
      %reduce_max3A_47 = vector.multi_reduction <maximumf>, %scan3A_45, %reduce_max3A [1] : vector<32x576xf32> to vector<32xf32>
      %broadcast_in_dim3A_48 = vector.shape_cast %reduce_max3A_47 : vector<32xf32> to vector<32x1xf32>
      %eq3A = vector.broadcast %broadcast_in_dim3A_48 : vector<32x1xf32> to vector<32x576xf32>
      %eq3A_49 = arith.cmpf oeq, %scan3A_45, %eq3A : vector<32x576xf32>
      %jit3A = arith.constant 576 : i32
      %broadcast_in_dim3A_50 = vector.broadcast %jit3A : i32 to vector<32x576xi32>
      %select_n3A = arith.select %eq3A_49, %iota3A, %broadcast_in_dim3A_50 : vector<32x576xi1>, vector<32x576xi32>
      %reduce_min3A = arith.constant dense<2147483647> : vector<32xi32>
      %reduce_min3A_51 = vector.multi_reduction <minsi>, %select_n3A, %reduce_min3A [1] : vector<32x576xi32> to vector<32xi32>
      %broadcast_in_dim3A_52 = vector.shape_cast %reduce_min3A_51 : vector<32xi32> to vector<32x1xi32>
      %eq3A_53 = vector.broadcast %broadcast_in_dim3A_52 : vector<32x1xi32> to vector<32x576xi32>
      %eq3A_54 = arith.cmpi eq, %iota3A, %eq3A_53 : vector<32x576xi32>
      %broadcast_in_dim3A_55 = vector.broadcast %scan3A_35 : f32 to vector<32x576xf32>
      %select_n3A_56 = arith.select %eq3A_54, %broadcast_in_dim3A_55, %scan3A_45 : vector<32x576xi1>, vector<32x576xf32>
      %eq3A_57 = vector.broadcast %scan3A_44 : i32 to vector<32x36xi32>
      %eq3A_58 = arith.cmpi eq, %iota3A_32, %eq3A_57 : vector<32x36xi32>
      %broadcast_in_dim3A_59 = vector.shape_cast %reduce_min3A_51 : vector<32xi32> to vector<32x1xi32>
      %broadcast_in_dim3A_60 = vector.shape_cast %broadcast_in_dim3A_59 : vector<32x1xi32> to vector<32x1xi32>
      %broadcast_in_dim3A_61 = vector.broadcast %broadcast_in_dim3A_60 : vector<32x1xi32> to vector<32x36xi32>
      %select_n3A_62 = arith.select %eq3A_58, %broadcast_in_dim3A_61, %scan3A_46 : vector<32x36xi1>, vector<32x36xi32>
      scf.yield %select_n3A_56, %select_n3A_62 : vector<32x576xf32>, vector<32x36xi32>
    }
    %scan3A_41 = arith.constant 36 : i32
    %concatenate3A = tpu.concatenate %scan3A_10#1, %scan3A_25#1, %scan3A_40#1 in 1 : vector<32x144xi32>, vector<32x72xi32>, vector<32x36xi32> -> vector<32x252xi32>
    %swap3A = arith.constant 0 : index
    %swap3A_42 = arith.constant 0 : index
    %swap3A_43 = vector.load %arg1[%swap3A, %swap3A_42] : memref<32x252xi32, #tpu.memory_space<vmem>>, vector<32x252xi32>
    tpu.vector_store %arg1[%swap3A, %swap3A_42], %concatenate3A {strides = array<i32>} : memref<32x252xi32, #tpu.memory_space<vmem>>, vector<32x252xi32>,
    return
  }
}

module attributes {stable_mosaic.version = 14 : i64} {
  func.func @_stage3_body(%arg0: i32, %arg1: memref<1x576x768xf32, #tpu.memory_space<vmem>>, %arg2: memref<1x576x576xf32, #tpu.memory_space<vmem>>, %arg3: memref<1x1x252xi32, #tpu.memory_space<vmem>>, %arg4: memref<1x252x768xf32, #tpu.memory_space<vmem>>) attributes {dimension_semantics = [#tpu.dimension_semantics<arbitrary>], iteration_bounds = array<i64: 32>, scalar_prefetch = 0 : i64, scratch_operands = 0 : i64, tpu.core_type = #tpu.core_type<tc>, window_params = [{transform_indices = @transform_0, window_bounds = array<i64: 1, 576, 768>}, {transform_indices = @transform_1, window_bounds = array<i64: 1, 576, 576>}, {transform_indices = @transform_2, window_bounds = array<i64: 1, 1, 252>}, {transform_indices = @transform_3, window_bounds = array<i64: 1, 252, 768>}]} {
    %get3A = arith.constant 0 : index
    %get3A_0 = arith.constant 0 : index
    %get3A_1 = arith.constant 0 : index
    %get3A_2 = vector.load %arg1[%get3A, %get3A_0, %get3A_1] : memref<1x576x768xf32, #tpu.memory_space<vmem>>, vector<1x576x768xf32>
    %get3A_3 = vector.shape_cast %get3A_2 : vector<1x576x768xf32> to vector<576x768xf32>
    %get3A_4 = arith.constant 0 : index
    %get3A_5 = arith.constant 0 : index
    %get3A_6 = arith.constant 0 : index
    %get3A_7 = vector.load %arg2[%get3A_4, %get3A_5, %get3A_6] : memref<1x576x576xf32, #tpu.memory_space<vmem>>, vector<1x576x576xf32>
    %get3A_8 = vector.shape_cast %get3A_7 : vector<1x576x576xf32> to vector<576x576xf32>
    %iota3A = tpu.iota {dimensions = array<i32: 1>} : vector<1x576xi32>
    %get3A_9 = arith.constant 0 : index
    %get3A_10 = arith.constant 0 : index
    %get3A_11 = arith.constant 0 : index
    %get3A_12 = vector.load %arg3[%get3A_9, %get3A_10, %get3A_11] : memref<1x1x252xi32, #tpu.memory_space<vmem>>, vector<1x1x144xi32>
    %get3A_13 = vector.shape_cast %get3A_12 : vector<1x1x144xi32> to vector<144xi32>
    %iota3A_14 = tpu.iota {dimensions = array<i32: 0>} : vector<144x1xi32>
    %broadcast_in_dim3A = vector.shape_cast %get3A_13 : vector<144xi32> to vector<144x1xi32>
    %eq3A = vector.broadcast %broadcast_in_dim3A : vector<144x1xi32> to vector<144x576xi32>
    %eq3A_15 = vector.broadcast %iota3A : vector<1x576xi32> to vector<144x576xi32>
    %eq3A_16 = arith.cmpi eq, %eq3A, %eq3A_15 : vector<144x576xi32>
    %convert_element_type3A = arith.extui %eq3A_16 : vector<144x576xi1> to vector<144x576xi32>
    %convert_element_type3A_17 = arith.sitofp %convert_element_type3A : vector<144x576xi32> to vector<144x576xf32>
    %dot_general3A = arith.constant dense<0.000000e+00> : vector<144x576xf32>
    %dot_general3A_18 = tpu.matmul %convert_element_type3A_17, %get3A_8, %dot_general3A {dimension_numbers = #tpu.dot_dimension_numbers<[1], [0], [0], [1], [0, 0, 1, 1], [], []>, precision = #tpu.contract_precision<fp32>, transpose_lhs_hint = false} : vector<144x576xf32>, vector<576x576xf32>, vector<144x576xf32> -> vector<144x576xf32>
    %reduce_min3A = arith.constant dense<0x7F800000> : vector<576xf32>
    %reduce_min3A_19 = vector.multi_reduction <minimumf>, %dot_general3A_18, %reduce_min3A [0] : vector<144x576xf32> to vector<576xf32>
    %broadcast_in_dim3A_20 = vector.shape_cast %reduce_min3A_19 : vector<576xf32> to vector<1x576xf32>
    %eq3A_21 = vector.broadcast %broadcast_in_dim3A_20 : vector<1x576xf32> to vector<144x576xf32>
    %eq3A_22 = arith.cmpf oeq, %dot_general3A_18, %eq3A_21 : vector<144x576xf32>
    %jit3A = arith.constant 144 : i32
    %broadcast_in_dim3A_23 = vector.shape_cast %iota3A_14 : vector<144x1xi32> to vector<144x1xi32>
    %broadcast_in_dim3A_24 = vector.broadcast %broadcast_in_dim3A_23 : vector<144x1xi32> to vector<144x576xi32>
    %broadcast_in_dim3A_25 = vector.broadcast %jit3A : i32 to vector<144x576xi32>
    %select_n3A = arith.select %eq3A_22, %broadcast_in_dim3A_24, %broadcast_in_dim3A_25 : vector<144x576xi1>, vector<144x576xi32>
    %reduce_min3A_26 = arith.constant dense<2147483647> : vector<576xi32>
    %reduce_min3A_27 = vector.multi_reduction <minsi>, %select_n3A, %reduce_min3A_26 [0] : vector<144x576xi32> to vector<576xi32>
    %jit3A_28 = arith.constant -1 : i32
    %broadcast_in_dim3A_29 = vector.shape_cast %iota3A_14 : vector<144x1xi32> to vector<144x1xi32>
    %broadcast_in_dim3A_30 = vector.broadcast %broadcast_in_dim3A_29 : vector<144x1xi32> to vector<144x576xi32>
    %broadcast_in_dim3A_31 = vector.broadcast %jit3A_28 : i32 to vector<144x576xi32>
    %select_n3A_32 = arith.select %eq3A_16, %broadcast_in_dim3A_30, %broadcast_in_dim3A_31 : vector<144x576xi1>, vector<144x576xi32>
    %reduce_max3A = arith.constant dense<-2147483648> : vector<576xi32>
    %reduce_max3A_33 = vector.multi_reduction <maxsi>, %select_n3A_32, %reduce_max3A [0] : vector<144x576xi32> to vector<576xi32>
    %ge3A = arith.constant 0 : i32
    %ge3A_34 = vector.broadcast %ge3A : i32 to vector<576xi32>
    %ge3A_35 = arith.cmpi sge, %reduce_max3A_33, %ge3A_34 : vector<576xi32>
    %select_n3A_36 = arith.select %ge3A_35, %reduce_max3A_33, %reduce_min3A_27 : vector<576xi1>, vector<576xi32>
    %broadcast_in_dim3A_37 = vector.shape_cast %select_n3A_36 : vector<576xi32> to vector<1x576xi32>
    %eq3A_38 = vector.broadcast %broadcast_in_dim3A_37 : vector<1x576xi32> to vector<144x576xi32>
    %eq3A_39 = vector.broadcast %iota3A_14 : vector<144x1xi32> to vector<144x576xi32>
    %eq3A_40 = arith.cmpi eq, %eq3A_38, %eq3A_39 : vector<144x576xi32>
    %convert_element_type3A_41 = arith.extui %eq3A_40 : vector<144x576xi1> to vector<144x576xi32>
    %convert_element_type3A_42 = arith.sitofp %convert_element_type3A_41 : vector<144x576xi32> to vector<144x576xf32>
    %reduce_sum3A = arith.constant dense<0.000000e+00> : vector<144xf32>
    %reduce_sum3A_43 = vector.multi_reduction <add>, %convert_element_type3A_42, %reduce_sum3A [1] : vector<144x576xf32> to vector<144xf32>
    %dot_general3A_44 = arith.constant dense<0.000000e+00> : vector<144x768xf32>
    %dot_general3A_45 = tpu.matmul %convert_element_type3A_42, %get3A_3, %dot_general3A_44 {dimension_numbers = #tpu.dot_dimension_numbers<[1], [0], [0], [1], [0, 0, 1, 1], [], []>, precision = #tpu.contract_precision<fp32>, transpose_lhs_hint = false} : vector<144x576xf32>, vector<576x768xf32>, vector<144x768xf32> -> vector<144x768xf32>
    %add3A = arith.constant 9.99999997E-7 : f32
    %add3A_46 = vector.broadcast %add3A : f32 to vector<144xf32>
    %add3A_47 = arith.addf %reduce_sum3A_43, %add3A_46 : vector<144xf32>
    %div3A = arith.constant 1.000000e+00 : f32
    %div3A_48 = vector.broadcast %div3A : f32 to vector<144xf32>
    %div3A_49 = arith.divf %div3A_48, %add3A_47 : vector<144xf32>
    %broadcast_in_dim3A_50 = vector.shape_cast %div3A_49 : vector<144xf32> to vector<144x1xf32>
    %mul3A = vector.broadcast %broadcast_in_dim3A_50 : vector<144x1xf32> to vector<144x768xf32>
    %mul3A_51 = arith.mulf %dot_general3A_45, %mul3A : vector<144x768xf32>
    %swap3A = arith.constant 0 : index
    %swap3A_52 = arith.constant 0 : index
    %swap3A_53 = arith.constant 0 : index
    %swap3A_54 = vector.load %arg4[%swap3A, %swap3A_52, %swap3A_53] : memref<1x252x768xf32, #tpu.memory_space<vmem>>, vector<1x144x768xf32>
    %swap3A_55 = vector.shape_cast %swap3A_54 : vector<1x144x768xf32> to vector<144x768xf32>
    %swap3A_56 = vector.shape_cast %mul3A_51 : vector<144x768xf32> to vector<1x144x768xf32>
    tpu.vector_store %arg4[%swap3A, %swap3A_52, %swap3A_53], %swap3A_56 {strides = array<i32>} : memref<1x252x768xf32, #tpu.memory_space<vmem>>, vector<1x144x768xf32>,
    %get3A_57 = arith.constant 0 : index
    %get3A_58 = arith.constant 0 : index
    %get3A_59 = arith.constant 144 : index
    %get3A_60 = vector.load %arg3[%get3A_57, %get3A_58, %get3A_59] : memref<1x1x252xi32, #tpu.memory_space<vmem>>, vector<1x1x72xi32>
    %get3A_61 = vector.shape_cast %get3A_60 : vector<1x1x72xi32> to vector<72xi32>
    %iota3A_62 = tpu.iota {dimensions = array<i32: 0>} : vector<72x1xi32>
    %broadcast_in_dim3A_63 = vector.shape_cast %get3A_61 : vector<72xi32> to vector<72x1xi32>
    %eq3A_64 = vector.broadcast %broadcast_in_dim3A_63 : vector<72x1xi32> to vector<72x576xi32>
    %eq3A_65 = vector.broadcast %iota3A : vector<1x576xi32> to vector<72x576xi32>
    %eq3A_66 = arith.cmpi eq, %eq3A_64, %eq3A_65 : vector<72x576xi32>
    %convert_element_type3A_67 = arith.extui %eq3A_66 : vector<72x576xi1> to vector<72x576xi32>
    %convert_element_type3A_68 = arith.sitofp %convert_element_type3A_67 : vector<72x576xi32> to vector<72x576xf32>
    %dot_general3A_69 = arith.constant dense<0.000000e+00> : vector<72x576xf32>
    %dot_general3A_70 = tpu.matmul %convert_element_type3A_68, %get3A_8, %dot_general3A_69 {dimension_numbers = #tpu.dot_dimension_numbers<[1], [0], [0], [1], [0, 0, 1, 1], [], []>, precision = #tpu.contract_precision<fp32>, transpose_lhs_hint = false} : vector<72x576xf32>, vector<576x576xf32>, vector<72x576xf32> -> vector<72x576xf32>
    %reduce_min3A_71 = arith.constant dense<0x7F800000> : vector<576xf32>
    %reduce_min3A_72 = vector.multi_reduction <minimumf>, %dot_general3A_70, %reduce_min3A_71 [0] : vector<72x576xf32> to vector<576xf32>
    %broadcast_in_dim3A_73 = vector.shape_cast %reduce_min3A_72 : vector<576xf32> to vector<1x576xf32>
    %eq3A_74 = vector.broadcast %broadcast_in_dim3A_73 : vector<1x576xf32> to vector<72x576xf32>
    %eq3A_75 = arith.cmpf oeq, %dot_general3A_70, %eq3A_74 : vector<72x576xf32>
    %jit3A_76 = arith.constant 72 : i32
    %broadcast_in_dim3A_77 = vector.shape_cast %iota3A_62 : vector<72x1xi32> to vector<72x1xi32>
    %broadcast_in_dim3A_78 = vector.broadcast %broadcast_in_dim3A_77 : vector<72x1xi32> to vector<72x576xi32>
    %broadcast_in_dim3A_79 = vector.broadcast %jit3A_76 : i32 to vector<72x576xi32>
    %select_n3A_80 = arith.select %eq3A_75, %broadcast_in_dim3A_78, %broadcast_in_dim3A_79 : vector<72x576xi1>, vector<72x576xi32>
    %reduce_min3A_81 = arith.constant dense<2147483647> : vector<576xi32>
    %reduce_min3A_82 = vector.multi_reduction <minsi>, %select_n3A_80, %reduce_min3A_81 [0] : vector<72x576xi32> to vector<576xi32>
    %jit3A_83 = arith.constant -1 : i32
    %broadcast_in_dim3A_84 = vector.shape_cast %iota3A_62 : vector<72x1xi32> to vector<72x1xi32>
    %broadcast_in_dim3A_85 = vector.broadcast %broadcast_in_dim3A_84 : vector<72x1xi32> to vector<72x576xi32>
    %broadcast_in_dim3A_86 = vector.broadcast %jit3A_83 : i32 to vector<72x576xi32>
    %select_n3A_87 = arith.select %eq3A_66, %broadcast_in_dim3A_85, %broadcast_in_dim3A_86 : vector<72x576xi1>, vector<72x576xi32>
    %reduce_max3A_88 = arith.constant dense<-2147483648> : vector<576xi32>
    %reduce_max3A_89 = vector.multi_reduction <maxsi>, %select_n3A_87, %reduce_max3A_88 [0] : vector<72x576xi32> to vector<576xi32>
    %ge3A_90 = arith.constant 0 : i32
    %ge3A_91 = vector.broadcast %ge3A_90 : i32 to vector<576xi32>
    %ge3A_92 = arith.cmpi sge, %reduce_max3A_89, %ge3A_91 : vector<576xi32>
    %select_n3A_93 = arith.select %ge3A_92, %reduce_max3A_89, %reduce_min3A_82 : vector<576xi1>, vector<576xi32>
    %broadcast_in_dim3A_94 = vector.shape_cast %select_n3A_93 : vector<576xi32> to vector<1x576xi32>
    %eq3A_95 = vector.broadcast %broadcast_in_dim3A_94 : vector<1x576xi32> to vector<72x576xi32>
    %eq3A_96 = vector.broadcast %iota3A_62 : vector<72x1xi32> to vector<72x576xi32>
    %eq3A_97 = arith.cmpi eq, %eq3A_95, %eq3A_96 : vector<72x576xi32>
    %convert_element_type3A_98 = arith.extui %eq3A_97 : vector<72x576xi1> to vector<72x576xi32>
    %convert_element_type3A_99 = arith.sitofp %convert_element_type3A_98 : vector<72x576xi32> to vector<72x576xf32>
    %reduce_sum3A_100 = arith.constant dense<0.000000e+00> : vector<72xf32>
    %reduce_sum3A_101 = vector.multi_reduction <add>, %convert_element_type3A_99, %reduce_sum3A_100 [1] : vector<72x576xf32> to vector<72xf32>
    %dot_general3A_102 = arith.constant dense<0.000000e+00> : vector<72x768xf32>
    %dot_general3A_103 = tpu.matmul %convert_element_type3A_99, %get3A_3, %dot_general3A_102 {dimension_numbers = #tpu.dot_dimension_numbers<[1], [0], [0], [1], [0, 0, 1, 1], [], []>, precision = #tpu.contract_precision<fp32>, transpose_lhs_hint = false} : vector<72x576xf32>, vector<576x768xf32>, vector<72x768xf32> -> vector<72x768xf32>
    %add3A_104 = arith.constant 9.99999997E-7 : f32
    %add3A_105 = vector.broadcast %add3A_104 : f32 to vector<72xf32>
    %add3A_106 = arith.addf %reduce_sum3A_101, %add3A_105 : vector<72xf32>
    %div3A_107 = arith.constant 1.000000e+00 : f32
    %div3A_108 = vector.broadcast %div3A_107 : f32 to vector<72xf32>
    %div3A_109 = arith.divf %div3A_108, %add3A_106 : vector<72xf32>
    %broadcast_in_dim3A_110 = vector.shape_cast %div3A_109 : vector<72xf32> to vector<72x1xf32>
    %mul3A_111 = vector.broadcast %broadcast_in_dim3A_110 : vector<72x1xf32> to vector<72x768xf32>
    %mul3A_112 = arith.mulf %dot_general3A_103, %mul3A_111 : vector<72x768xf32>
    %swap3A_113 = arith.constant 0 : index
    %swap3A_114 = arith.constant 144 : index
    %swap3A_115 = arith.constant 0 : index
    %swap3A_116 = vector.load %arg4[%swap3A_113, %swap3A_114, %swap3A_115] : memref<1x252x768xf32, #tpu.memory_space<vmem>>, vector<1x72x768xf32>
    %swap3A_117 = vector.shape_cast %swap3A_116 : vector<1x72x768xf32> to vector<72x768xf32>
    %swap3A_118 = vector.shape_cast %mul3A_112 : vector<72x768xf32> to vector<1x72x768xf32>
    tpu.vector_store %arg4[%swap3A_113, %swap3A_114, %swap3A_115], %swap3A_118 {strides = array<i32>} : memref<1x252x768xf32, #tpu.memory_space<vmem>>, vector<1x72x768xf32>,
    %get3A_119 = arith.constant 0 : index
    %get3A_120 = arith.constant 0 : index
    %get3A_121 = arith.constant 216 : index
    %get3A_122 = vector.load %arg3[%get3A_119, %get3A_120, %get3A_121] : memref<1x1x252xi32, #tpu.memory_space<vmem>>, vector<1x1x36xi32>
    %get3A_123 = vector.shape_cast %get3A_122 : vector<1x1x36xi32> to vector<36xi32>
    %iota3A_124 = tpu.iota {dimensions = array<i32: 0>} : vector<36x1xi32>
    %broadcast_in_dim3A_125 = vector.shape_cast %get3A_123 : vector<36xi32> to vector<36x1xi32>
    %eq3A_126 = vector.broadcast %broadcast_in_dim3A_125 : vector<36x1xi32> to vector<36x576xi32>
    %eq3A_127 = vector.broadcast %iota3A : vector<1x576xi32> to vector<36x576xi32>
    %eq3A_128 = arith.cmpi eq, %eq3A_126, %eq3A_127 : vector<36x576xi32>
    %convert_element_type3A_129 = arith.extui %eq3A_128 : vector<36x576xi1> to vector<36x576xi32>
    %convert_element_type3A_130 = arith.sitofp %convert_element_type3A_129 : vector<36x576xi32> to vector<36x576xf32>
    %dot_general3A_131 = arith.constant dense<0.000000e+00> : vector<36x576xf32>
    %dot_general3A_132 = tpu.matmul %convert_element_type3A_130, %get3A_8, %dot_general3A_131 {dimension_numbers = #tpu.dot_dimension_numbers<[1], [0], [0], [1], [0, 0, 1, 1], [], []>, precision = #tpu.contract_precision<fp32>, transpose_lhs_hint = false} : vector<36x576xf32>, vector<576x576xf32>, vector<36x576xf32> -> vector<36x576xf32>
    %reduce_min3A_133 = arith.constant dense<0x7F800000> : vector<576xf32>
    %reduce_min3A_134 = vector.multi_reduction <minimumf>, %dot_general3A_132, %reduce_min3A_133 [0] : vector<36x576xf32> to vector<576xf32>
    %broadcast_in_dim3A_135 = vector.shape_cast %reduce_min3A_134 : vector<576xf32> to vector<1x576xf32>
    %eq3A_136 = vector.broadcast %broadcast_in_dim3A_135 : vector<1x576xf32> to vector<36x576xf32>
    %eq3A_137 = arith.cmpf oeq, %dot_general3A_132, %eq3A_136 : vector<36x576xf32>
    %jit3A_138 = arith.constant 36 : i32
    %broadcast_in_dim3A_139 = vector.shape_cast %iota3A_124 : vector<36x1xi32> to vector<36x1xi32>
    %broadcast_in_dim3A_140 = vector.broadcast %broadcast_in_dim3A_139 : vector<36x1xi32> to vector<36x576xi32>
    %broadcast_in_dim3A_141 = vector.broadcast %jit3A_138 : i32 to vector<36x576xi32>
    %select_n3A_142 = arith.select %eq3A_137, %broadcast_in_dim3A_140, %broadcast_in_dim3A_141 : vector<36x576xi1>, vector<36x576xi32>
    %reduce_min3A_143 = arith.constant dense<2147483647> : vector<576xi32>
    %reduce_min3A_144 = vector.multi_reduction <minsi>, %select_n3A_142, %reduce_min3A_143 [0] : vector<36x576xi32> to vector<576xi32>
    %jit3A_145 = arith.constant -1 : i32
    %broadcast_in_dim3A_146 = vector.shape_cast %iota3A_124 : vector<36x1xi32> to vector<36x1xi32>
    %broadcast_in_dim3A_147 = vector.broadcast %broadcast_in_dim3A_146 : vector<36x1xi32> to vector<36x576xi32>
    %broadcast_in_dim3A_148 = vector.broadcast %jit3A_145 : i32 to vector<36x576xi32>
    %select_n3A_149 = arith.select %eq3A_128, %broadcast_in_dim3A_147, %broadcast_in_dim3A_148 : vector<36x576xi1>, vector<36x576xi32>
    %reduce_max3A_150 = arith.constant dense<-2147483648> : vector<576xi32>
    %reduce_max3A_151 = vector.multi_reduction <maxsi>, %select_n3A_149, %reduce_max3A_150 [0] : vector<36x576xi32> to vector<576xi32>
    %ge3A_152 = arith.constant 0 : i32
    %ge3A_153 = vector.broadcast %ge3A_152 : i32 to vector<576xi32>
    %ge3A_154 = arith.cmpi sge, %reduce_max3A_151, %ge3A_153 : vector<576xi32>
    %select_n3A_155 = arith.select %ge3A_154, %reduce_max3A_151, %reduce_min3A_144 : vector<576xi1>, vector<576xi32>
    %broadcast_in_dim3A_156 = vector.shape_cast %select_n3A_155 : vector<576xi32> to vector<1x576xi32>
    %eq3A_157 = vector.broadcast %broadcast_in_dim3A_156 : vector<1x576xi32> to vector<36x576xi32>
    %eq3A_158 = vector.broadcast %iota3A_124 : vector<36x1xi32> to vector<36x576xi32>
    %eq3A_159 = arith.cmpi eq, %eq3A_157, %eq3A_158 : vector<36x576xi32>
    %convert_element_type3A_160 = arith.extui %eq3A_159 : vector<36x576xi1> to vector<36x576xi32>
    %convert_element_type3A_161 = arith.sitofp %convert_element_type3A_160 : vector<36x576xi32> to vector<36x576xf32>
    %reduce_sum3A_162 = arith.constant dense<0.000000e+00> : vector<36xf32>
    %reduce_sum3A_163 = vector.multi_reduction <add>, %convert_element_type3A_161, %reduce_sum3A_162 [1] : vector<36x576xf32> to vector<36xf32>
    %dot_general3A_164 = arith.constant dense<0.000000e+00> : vector<36x768xf32>
    %dot_general3A_165 = tpu.matmul %convert_element_type3A_161, %get3A_3, %dot_general3A_164 {dimension_numbers = #tpu.dot_dimension_numbers<[1], [0], [0], [1], [0, 0, 1, 1], [], []>, precision = #tpu.contract_precision<fp32>, transpose_lhs_hint = false} : vector<36x576xf32>, vector<576x768xf32>, vector<36x768xf32> -> vector<36x768xf32>
    %add3A_166 = arith.constant 9.99999997E-7 : f32
    %add3A_167 = vector.broadcast %add3A_166 : f32 to vector<36xf32>
    %add3A_168 = arith.addf %reduce_sum3A_163, %add3A_167 : vector<36xf32>
    %div3A_169 = arith.constant 1.000000e+00 : f32
    %div3A_170 = vector.broadcast %div3A_169 : f32 to vector<36xf32>
    %div3A_171 = arith.divf %div3A_170, %add3A_168 : vector<36xf32>
    %broadcast_in_dim3A_172 = vector.shape_cast %div3A_171 : vector<36xf32> to vector<36x1xf32>
    %mul3A_173 = vector.broadcast %broadcast_in_dim3A_172 : vector<36x1xf32> to vector<36x768xf32>
    %mul3A_174 = arith.mulf %dot_general3A_165, %mul3A_173 : vector<36x768xf32>
    %swap3A_175 = arith.constant 0 : index
    %swap3A_176 = arith.constant 216 : index
    %swap3A_177 = arith.constant 0 : index
    %swap3A_178 = vector.load %arg4[%swap3A_175, %swap3A_176, %swap3A_177] : memref<1x252x768xf32, #tpu.memory_space<vmem>>, vector<1x36x768xf32>
    %swap3A_179 = vector.shape_cast %swap3A_178 : vector<1x36x768xf32> to vector<36x768xf32>
    %swap3A_180 = vector.shape_cast %mul3A_174 : vector<36x768xf32> to vector<1x36x768xf32>
    tpu.vector_store %arg4[%swap3A_175, %swap3A_176, %swap3A_177], %swap3A_180 {strides = array<i32>} : memref<1x252x768xf32, #tpu.memory_space<vmem>>, vector<1x36x768xf32>,
    return
  }
  func.func @transform_0(%arg0: i32) -> (i32, i32, i32) {
    %c0_i32 = arith.constant 0 : i32
    %c0_i32_0 = arith.constant 0 : i32
    %c0_i32_1 = arith.constant 0 : i32
    return %arg0, %c0_i32, %c0_i32_0 : i32, i32, i32
  }
  func.func @transform_1(%arg0: i32) -> (i32, i32, i32) {
    %c0_i32 = arith.constant 0 : i32
    %c0_i32_0 = arith.constant 0 : i32
    %c0_i32_1 = arith.constant 0 : i32
    return %arg0, %c0_i32, %c0_i32_0 : i32, i32, i32
  }
  func.func @transform_2(%arg0: i32) -> (i32, i32, i32) {
    %c0_i32 = arith.constant 0 : i32
    %c0_i32_0 = arith.constant 0 : i32
    %c0_i32_1 = arith.constant 0 : i32
    return %arg0, %c0_i32, %c0_i32_0 : i32, i32, i32
  }
  func.func @transform_3(%arg0: i32) -> (i32, i32, i32) {
    %c0_i32 = arith.constant 0 : i32
    %c0_i32_0 = arith.constant 0 : i32
    %c0_i32_1 = arith.constant 0 : i32
    return %arg0, %c0_i32, %c0_i32_0 : i32, i32, i32
  }
}

</mosaic_0001>

<sc_bundles>
// kernel: sparse-core-data-format-call.cloned.1.call-start
scs
called_computation_lowered:
.L_overlay_start_0:
0x0: {  	s1 =	sld [smem:$0x3FD9]  }
0x1: {  	s2 =	sld [smem:$0x3FFE];
	_ =	sdelay $0x1  }
0x2: {  	s3 =	srdreg.scid  }
0x3: {  	s0 =	sand.u32 $0x1, s3  }
0x4: {  	s17 =	sshll.u32 s0, $0xA;
	s1 =	sadd.s32 s2, s1  }
0x5: {  	s1 =	sadd.s32 s1, s17  }
0x6: {  	[smem:$0x3FC7] =	sst s1  }
0x7: {  	_ = 	snop  }
0x8: {  	(tm) =	ssettm $0x1  }
0x9: {  	s18 =	sld [smem:$0x3FFB];
	_ =	sdelay $0x3  }
0xa: {  	_ =	strace s18  }
0xb: {  	s1 =	sld [smem:$0x3FFC];
	_ =	sdelay $0x3  }
0xc: {  	_ =	strace s1  }
0xd: {  	s1 =	sld [smem:$0x3FFD];
	_ =	sdelay $0x3  }
0xe: {  	_ =	strace s1  }
0xf: {  	_ =	strace $0x8FFFFFFF  }
0x10: {  	s19 =	sld [smem:$0x3FDB];
	_ =	sdelay $0x1  }
0x11: {  	s20 =	simm.s32 $_scs_section_size  }
0x12: {  	s4 =	simm.s32 $_size__tile_overlayer_lowered;
	s5 =	simm.s32 $_tile_overlayer_lowered  }
0x13: {  	s23 =	simm.s32 $0x1BFF;
	s22 =	sshll.u32 s5, $0x1;
	s1 =	sadd.s32 s20, s19  }
0x14: {  	s6 =	simm.s32 $0x0;
	s21 =	sshll.u32 s4, $0x1;
	s4 =	sadd.s32 s22, s1  }
0x15: {  	[timem:s6], [sflag:s23] =	dma.local [hbm:s4], s21  }
0x16: {  	_ =	swait.ge [sflag:s23], s21  }
0x17: {  	s2 =	ssub.s32 $0x0, s21;
	[sflag:s23] =	ssyncset.done $0x0  }
0x18: {  	[sflag:s23] =	ssyncadd.s32 s2;
	_ =	sdelay $0x1  }
0x19: {  	s24 =	simm.s32 $0x1B8B  }
0x1a: {  	_ =	swait.ge [sflag:s24], $0x1  }
0x1b: {  	[sflag:s24] =	ssyncset.done $0x0  }
0x1c: {  	s26 =	simm.s32 $0x1B8E;
	s25 =	sld [smem:$0x3FFE];
	[sflag:s24] =	ssyncadd.s32 $0xFFFFFFFF  }
0x1d: {  	s27 =	simm.s32 $execute0_lowered;
	[smem:$0x3FD2] =	sst s26  }
0x1e: {  	s4 =	sshll.u32 s27, $0x1;
	_ =	strace $0x80000046;
	[dreg:$0x1] =	wrdreg $0xFFFFFFFF  }
0x1f: {  	s28 =	simm.s32 $_size_execute0_lowered;
	s1 =	sadd.s32 s1, s4;
	[dreg:$0x0] =	wrdreg $0x0  }
0x20: {  	s4 =	sshll.u32 s28, $0x1;
	[dreg:$0x2] =	wrdreg s1  }
0x21: {  	[dreg:$0x3] =	wrdreg s4  }
0x22: {  	[dreg:$0x4] =	wrdreg $0xC0  }
0x23: {  	_ =	task [dreg:s6], $0x5FFFF  }
0x24: {  	[dreg:$0x1] =	wrdreg $0xFFFFFFFF  }
0x25: {  	[dreg:$0x0] =	wrdreg $0x60  }
0x26: {  	[dreg:$0x2] =	wrdreg s25  }
0x27: {  	[dreg:$0x3] =	wrdreg $0x9  }
0x28: {  	_ =	task.clear_ibuf [dreg:s6], $0x4FFFF;
	_ =	strace $0x90000046  }
0x29: {  	s29 =	simm.s32 $0x9;
	_ =	strace $0x80000048  }
0x2a: {  	_ =	swait.ge [sflag:s29], $0x1  }
0x2b: {  	[sflag:s29] =	ssyncadd.s32 $0xFFFFFFFF  }
0x2c: {  	_ =	strace $0x90000048  }
0x2d: {  	_ =	sfence  }
0x2e: {  	s30 =	sld [smem:$0x0];
	_ =	sdelay $0x2  }
0x2f: {  	s31 =	sshll.u32 s3, $0xD;
	s3 =	sshrl.u32 s3, $0x2  }
0x30: {  	s2 =	sand.u32 $0x4000, s31;
	s1 =	sadd.s32 s3, s30  }
0x31: {  	s0 =	sor.u32 s2, s0;
	s1 =	sshll.u32 s1, $0x11  }
0x32: {  	s0 =	sor.u32 s1, s0  }
0x33: {  	s0 =	sadd.s32 $0x8F2B, s0  }
0x34: {  	[sflag:s0] =	ssyncadd.remote.s32 $0x1  }
0x35: {  	_ =	sfence.sel $0xFFFF  }
0x36: {  	[dreg:$0x0] =	wrdreg $0xFFFFFFFF;
	(pc) =	sbr.abs _section_cstart, $3  }
0x37: {  	[dreg:$0x1] =	wrdreg $0xFFFFFFFF  }
0x38: {  	_ =	task.clear_ibuf [dreg:s6], $0x2FFFF;
	_ =	strace $0x9FFFFFFF  }
0x39: {  	(tm) =	ssettm $0x7FFFFFFF  }
tec
execute0_lowered:
.L_overlay_start_1:
0x0: {  	(tag) =	ssettag $0x1  }
0x1: {  	s0 =	rddreg [dreg:$0x0];
	_ =	strace $0x80000047;
	s30 =	srdreg.scid  }
0x2: {  	s2 =	stileid.u32;
	s1 =	simm.s32 $0x1;
	s31 =	simm.s32 $0x2  }
0x3: {  	s15 =	simm.s32 $0x0;
	s16 =	simm.s32 $0x0;
	s17 =	simm.s32 $0x0  }
0x4: {  	s8 =	simm.s32 $0x0;
	s10 =	simm.s32 $0x0;
	s12 =	simm.s32 $0x0  }
.Ltmp0:
0x5: {  	s6 =	sadd.s32 $0x168000, s0;
	s0 =	sadd.s32 $0x2D0000, s0;
	(pc) =	sbr.rel .LBB1_1-.Ltmp0, $4  }
0x6: {  	s11 =	simm.s32 $0x0;
	[dreg:$0x3] =	wrdreg s0;
	s0 =	sshll.u32 s30, $0x4  }
0x7: {  	s13 =	simm.s32 $0x0;
	s9 =	simm.s32 $0x0;
	s0 =	sand.u32 $0x10, s0  }
0x8: {  	[sflag:s1] =	ssyncpa.u1 $0x0;
	[dreg:$0x2] =	wrdreg s6;
	s7 =	sor.u32 s2, s0  }
0x9: {  	[sflag:s31] =	ssyncpa.u1 $0x0;
	s14 =	smov.u32 s7;
	[dreg:$0x4] =	wrdreg s7  }
.LBB1_14:
0xa: {  	s8 =	rddreg [dreg:$0x5]  }
0xb: {  	s10 =	rddreg [dreg:$0x7]  }
0xc: {  	s19 =	rddreg [dreg:$0x10]  }
0xd: {  	s21 =	rddreg [dreg:$0x11]  }
0xe: {  	s6 =	rddreg [dreg:$0xf]  }
0xf: {  	s12 =	rddreg [dreg:$0x9]  }
0x10: {  	s26 =	rddreg [dreg:$0x3]  }
0x11: {  	s29 =	rddreg [dreg:$0x12]  }
0x12: {  	s7 =	rddreg [dreg:$0x4]  }
0x13: {  	s9 =	rddreg [dreg:$0x6]  }
0x14: {  	s11 =	rddreg [dreg:$0x8]  }
0x15: {  	s13 =	rddreg [dreg:$0xa]  }
0x16: {  	s14 =	rddreg [dreg:$0xb]  }
0x17: {  	s31 =	simm.s32 $0x1400;
	s15 =	rddreg [dreg:$0xc]  }
0x18: {  	s0 =	sshrl.u32 s8, $0x3;
	s1 =	sshll.u32 s10, $0x3;
	s2 =	sshll.u32 s8, $0x7  }
0x19: {  	p0 =	sgt.s32 s10, $0x200;
	s3 =	smov.u32 s10;
	s0 =	smul.u32 $0x1400, s0  }
0x1a: {  	s18 =	sand.u32 $0x7F, s10;
	s4 =	smov.u32 s8;
	s1 =	sand.u32 $0xFFFFFC00, s1  }
0x1b: {  	s24 =	smul.u32 $0xB400, s12;
	s17 =	sand.u32 $0x380, s2;
	s0 =	sadd.s32 s1, s0  }
0x1c: {  	s3 =	simm.s32 @!p0 $0x200;
	p0 =	sgt.s32 s8, $0x1C0;
	s0 =	sor.u32 s17, s0  }
0x1d: {  	s4 =	simm.s32 @!p0 $0x1C0;
	s1 =	sadd.s32 s19, s3;
	s20 =	smulhi.u32 $0xCCCCCCCD, s0  }
0x1e: {  	s5 =	sadd.s32 $0xFFFFFE00, s1;
	s1 =	ssub.s32 $0x280, s1;
	s0 =	sor.u32 s18, s0  }
0x1f: {  	p0 =	sgt.s32 s5, $0x7F;
	s2 =	smulhi.u32 $0xCCCCCCCD, s0;
	s3 =	sshrl.u32 s20, $0x9  }
0x20: {  	s4 =	sadd.s32 s21, s4;
	s1 =	simm.s32 @p0 $0x0;
	s22 =	smulhi.u32 $0x71C71D, s3  }
0x21: {  	s23 =	sadd.s32 $0xFFFFFE40, s4;
	s4 =	ssub.s32 $0x240, s4;
	s1 =	smul.u32 s6, s1  }
0x22: {  	p0 =	sgt.s32 s23, $0x7F;
	s2 =	sshrl.u32 s2, $0x9;
	s5 =	smul.u32 $0x240, s22  }
0x23: {  	s16 =	rddreg [dreg:$0xd];
	s4 =	simm.s32 @p0 $0x0;
	s2 =	smul.u32 $0x280, s2  }
0x24: {  	s17 =	rddreg [dreg:$0xe];
	s1 =	smul.u32 s4, s1;
	s3 =	ssub.s32 s3, s5  }
0x25: {  	s6 =	rddreg [dreg:$0x2];
	s0 =	ssub.s32 s0, s2;
	s25 =	smul.u32 $0x50, s3  }
0x26: {  	s4 =	sor.u32 $0x8000, s29;
	s27 =	sand.u32 $0x7, s0;
	s3 =	sadd.s32 s26, s24  }
0x27: {  	s0 =	sshrl.u32 s0, $0x3;
	s28 =	sshll.u32 s27, $0x12;
	s2 =	sadd.s32 s25, s3  }
0x28: {  	s1 =	sand.u32 $0x3FFFFFFF, s1;
	s30 =	sor.u32 $0x400, s28;
	s0 =	sadd.s32 s0, s2  }
0x29: {  	[hbm4b:s0+s30] =	stream.strided.scatter [tilespmem:s4], [sflag:$0x2], s1, s31, s30, $0x20;
	[tilespmem:$0x10100] =	vst v63  }
.LBB1_15:
0x2a: {  	p0 =	slt.u32 s9, $0x2  }
0x2b: {  	p1 =	sgt.s32 @!p0 s17, $0x1F  }
0x2c: {  	s0 =	smov.u32 s17;
	s1 =	sshra.s32 @!p0 s17, $0x1F;
	p1 =	por !p1, p0  }
0x2d: {  	s1 =	sand.u32 @!p0 s1, s17;
	s0 =	simm.s32 @p1 $0x1F  }
0x2e: {  	s3 =	smov.u32 s15;
	s0 =	ssub.s32 @!p0 s0, s1  }
0x2f: {  	p2 =	sgt.s32 @!p0 s16, $0x200;
	s2 =	sshra.s32 @!p0 s16, $0x1F;
	s1 =	sadd.s32 @!p0 $0xFFFFFFE1, s0  }
0x30: {  	p2 =	por !p2, p0;
	p1 =	sgt.s32 @!p0 s1, $0x0;
	s1 =	smov.u32 s16  }
0x31: {  	s2 =	sand.u32 @!p0 s2, s16;
	s1 =	simm.s32 @p2 $0x200;
	p2 =	sgt.s32 @!p0 s15, $0x1C0  }
0x32: {  	s0 =	ssub.s32 @!p0 $0x20, s0;
	p1 =	por !p1, p0;
	p2 =	por !p2, p0  }
0x33: {  	s1 =	ssub.s32 @!p0 s1, s2;
	s2 =	sshra.s32 @!p0 s15, $0x1F;
	s0 =	simm.s32 @!p1 $0x0  }
0x34: {  	s3 =	simm.s32 @p2 $0x1C0;
	s2 =	sand.u32 @!p0 s2, s15;
	s4 =	sadd.s32 @!p0 $0xFFFFFE00, s1  }
0x35: {  	s1 =	ssub.s32 @!p0 $0x280, s1;
	s2 =	ssub.s32 @!p0 s3, s2;
	p1 =	sgt.s32 @!p0 s4, $0x7F  }
0x36: {  	s4 =	smov.u32 s13;
	s3 =	sadd.s32 @!p0 $0xFFFFFE40, s2;
	p1 =	por !p1, p0  }
0x37: {  	s2 =	ssub.s32 @!p0 $0x240, s2;
	p2 =	sgt.s32 @!p0 s3, $0x7F;
	s1 =	simm.s32 @!p1 $0x0  }
0x38: {  	p1 =	por !p2, p0;
	s0 =	smul.u32 @!p0 s0, s1;
	s1 =	sadd.s32 $0x80, s11  }
0x39: {  	s3 =	sadd.s32 $0x80, s13;
	s2 =	simm.s32 @!p1 $0x0;
	p1 =	sgt.s32 s1, $0x23F  }
0x3a: {  	s0 =	smul.u32 @!p0 s2, s0;
	s4 =	smov.u32 @p1 s3  }
0x3b: {  	s2 =	sadd.s32 $0x20, s14;
	s3 =	smov.u32 s14;
	p2 =	sgt.s32 s4, $0x23F  }
0x3c: {  	s9 =	sadd.s32 $0x1, s9;
	s3 =	smov.u32 @p2 s2  }
0x3d: {  	s17 =	smov.u32 s12;
	s1 =	simm.s32 @p1 $0x0;
	p1 =	sgt.s32 s3, $0x1F  }
0x3e: {  	s12 =	smov.u32 s14;
	s3 =	smov.u32 @p1 s7;
	p1 =	sne.s32 s9, $0x1B  }
.Ltmp1:
0x3f: {  	s16 =	smov.u32 s10;
	s10 =	smov.u32 s13;
	(pc) =	sbr.rel @!p1 .LBB1_16-.Ltmp1, $4  }
0x40: {  	s15 =	smov.u32 s8;
	s0 =	sand.u32 @!p0 $0x3FFFFFFF, s0;
	s2 =	simm.s32 @!p0 $0x2  }
0x41: {  	s8 =	smov.u32 s11;
	s11 =	smov.u32 s1;
	_ =	swait.ge @!p0 [sflag:s2], s0  }
0x42: {  	s4 =	simm.s32 @p2 $0x0;
	s0 =	ssub.s32 @!p0 $0x0, s0;
	[sflag:s2] =	ssyncset.done @!p0 $0x0  }
0x43: {  	s13 =	smov.u32 s4;
	[sflag:s2] =	ssyncadd.s32 @!p0 s0;
	s14 =	smov.u32 s3  }
.LBB1_1:
0x44: {  	p0 =	sgt.u32 s9, $0x18  }
0x45: {  	s5 =	smov.u32 s11;
	s0 =	sshrl.u32 @!p0 s13, $0x3  }
0x46: {  	s1 =	sshll.u32 @!p0 s11, $0x3;
	p1 =	sgt.s32 @!p0 s14, $0x1F;
	s0 =	smul.u32 @!p0 $0x1400, s0  }
0x47: {  	s2 =	sshra.s32 @!p0 s14, $0x1F;
	s3 =	sshll.u32 @!p0 s13, $0x7;
	s1 =	sand.u32 @!p0 $0xFFFFFC00, s1  }
0x48: {  	p1 =	por !p1, p0;
	s0 =	sadd.s32 @!p0 s0, s1;
	s1 =	smov.u32 s14  }
0x49: {  	s2 =	sand.u32 @!p0 s2, s14;
	s3 =	sand.u32 @!p0 $0x380, s3;
	s1 =	simm.s32 @p1 $0x1F  }
0x4a: {  	p1 =	sgt.s32 @!p0 s13, $0x1C0;
	s0 =	sor.u32 @!p0 s3, s0;
	s1 =	ssub.s32 @!p0 s1, s2  }
0x4b: {  	s3 =	smov.u32 s13;
	p1 =	por !p1, p0;
	s2 =	sadd.s32 @!p0 $0xFFFFFFE1, s1  }
0x4c: {  	s3 =	simm.s32 @p1 $0x1C0;
	p1 =	sgt.s32 @!p0 s2, $0x0;
	s2 =	sshra.s32 @!p0 s13, $0x1F  }
0x4d: {  	s1 =	ssub.s32 @!p0 $0x20, s1;
	p1 =	por !p1, p0;
	s2 =	sand.u32 @!p0 s2, s13  }
0x4e: {  	s1 =	simm.s32 @!p1 $0x0;
	s2 =	ssub.s32 @!p0 s3, s2;
	p1 =	sgt.s32 @!p0 s11, $0x200  }
0x4f: {  	s3 =	smulhi.u32 @!p0 $0xCCCCCCCD, s0;
	s4 =	sadd.s32 @!p0 $0xFFFFFE40, s2;
	p1 =	por !p1, p0  }
0x50: {  	s5 =	simm.s32 @p1 $0x200;
	p1 =	sgt.s32 @!p0 s4, $0x7F;
	s4 =	sshra.s32 @!p0 s11, $0x1F  }
0x51: {  	s2 =	ssub.s32 @!p0 $0x240, s2;
	p1 =	por !p1, p0;
	s4 =	sand.u32 @!p0 s4, s11  }
0x52: {  	s3 =	sshrl.u32 @!p0 s3, $0x9;
	s4 =	ssub.s32 @!p0 s5, s4;
	s2 =	simm.s32 @!p1 $0x0  }
0x53: {  	s5 =	sand.u32 @!p0 $0x7F, s11;
	s1 =	smul.u32 @!p0 s1, s2;
	s2 =	sadd.s32 @!p0 $0xFFFFFE00, s4  }
0x54: {  	s0 =	sor.u32 @!p0 s5, s0;
	s5 =	smulhi.u32 @!p0 $0x71C71D, s3;
	p1 =	sgt.s32 @!p0 s2, $0x7F  }
0x55: {  	s4 =	ssub.s32 @!p0 $0x280, s4;
	s2 =	smulhi.u32 @!p0 $0xCCCCCCCD, s0;
	p1 =	por !p1, p0  }
0x56: {  	s5 =	smul.u32 @!p0 $0x240, s5;
	s4 =	simm.s32 @!p1 $0x0  }
0x57: {  	s2 =	sshrl.u32 @!p0 s2, $0x9;
	s1 =	smul.u32 @!p0 s4, s1  }
0x58: {  	s4 =	sxor.u32 @!p0 $0xFFFFFFFF, s9;
	s2 =	smul.u32 @!p0 $0x280, s2  }
0x59: {  	s3 =	ssub.s32 @!p0 s3, s5;
	s5 =	smul.u32 @!p0 $0xB400, s14;
	s4 =	sshll.u32 @!p0 s4, $0xE  }
0x5a: {  	s4 =	sand.u32 @!p0 $0x4000, s4;
	s0 =	ssub.s32 @!p0 s0, s2;
	s2 =	smul.u32 @!p0 $0x50, s3  }
0x5b: {  	s1 =	sand.u32 @!p0 $0x3FFFFFFF, s1;
	s3 =	sadd.s32 @!p0 s6, s5;
	s5 =	sand.u32 @!p0 $0x7, s0  }
0x5c: {  	s0 =	sshrl.u32 @!p0 s0, $0x3;
	s2 =	sadd.s32 @!p0 s2, s3;
	s3 =	sshll.u32 @!p0 s5, $0x12  }
0x5d: {  	s0 =	sadd.s32 @!p0 s0, s2;
	s2 =	sor.u32 @!p0 $0x400, s3;
	s3 =	simm.s32 @!p0 $0x1400  }
0x5e: {  	[tilespmem:s4], [sflag:$0x1] =	stream.strided.gather @!p0 [hbm4b:s0+s2], s1, s3, s2, $0x38;
	[tilespmem:$0x10100] =	vst v63  }
0x5f: {  	p0 =	seq.s32 s9, $0x0  }
0x60: {  	p1 =	seq.s32 @!p0 s9, $0x1A  }
0x61: {  	p0 =	por p0, p1  }
.Ltmp2:
0x62: {  	_ = 	snop;
	(pc) =	sbr.rel @p0 .LBB1_15-.Ltmp2, $1  }
0x63: {  	_ =	sdelay $0x3  }
0x64: {  	[dreg:$0xe] =	wrdreg s17  }
0x65: {  	[dreg:$0xd] =	wrdreg s16  }
0x66: {  	[dreg:$0xc] =	wrdreg s15  }
0x67: {  	[dreg:$0xb] =	wrdreg s14  }
0x68: {  	[dreg:$0xa] =	wrdreg s13  }
0x69: {  	[dreg:$0x8] =	wrdreg s11  }
0x6a: {  	p0 =	sgt.s32 s12, $0x1F;
	s0 =	smov.u32 s12;
	s1 =	sshra.s32 s12, $0x1F  }
0x6b: {  	s25 =	ssub.s32 $0x0, s10;
	s2 =	sshra.s32 s10, $0x1F;
	s3 =	smov.u32 s10  }
0x6c: {  	p1 =	sgt.s32 s8, $0x200;
	s27 =	ssub.s32 $0x0, s8;
	[dreg:$0x5] =	wrdreg s8  }
0x6d: {  	s28 =	sshra.s32 s8, $0x1F;
	s0 =	simm.s32 @!p0 $0x1F;
	s1 =	sand.u32 s1, s12  }
0x6e: {  	p0 =	sgt.s32 s10, $0x1C0;
	s29 =	sand.u32 s27, s28;
	s0 =	ssub.s32 s0, s1  }
0x6f: {  	s1 =	sand.u32 s25, s2;
	s3 =	simm.s32 @!p0 $0x1C0;
	s2 =	smov.u32 s8  }
0x70: {  	s4 =	sadd.s32 $0xFFFFFFE1, s0;
	[dreg:$0x10] =	wrdreg s1;
	s1 =	sadd.s32 s1, s3  }
0x71: {  	s5 =	ssub.s32 $0x20, s0;
	s2 =	simm.s32 @!p1 $0x200;
	p0 =	sgt.s32 s4, $0x0  }
0x72: {  	s26 =	sadd.s32 $0xFFFFFE40, s1;
	s0 =	ssub.s32 $0x240, s1;
	s1 =	sadd.s32 s29, s2  }
0x73: {  	[dreg:$0x9] =	wrdreg s12;
	s5 =	simm.s32 @p0 $0x0;
	s2 =	sadd.s32 $0xFFFFFE00, s1  }
0x74: {  	s1 =	ssub.s32 $0x280, s1;
	p0 =	sgt.s32 s2, $0x7F;
	s2 =	sadd.s32 $0x1, s12  }
0x75: {  	s3 =	sadd.s32 $0x80, s10;
	s1 =	simm.s32 @p0 $0x0;
	p0 =	slt.s32 s2, $0x20  }
0x76: {  	p1 =	sgt.s32 s26, $0x7F;
	s2 =	simm.s32 @!p0 $0x20;
	p0 =	slt.s32 s3, $0x240  }
0x77: {  	s0 =	simm.s32 @p1 $0x0;
	s21 =	ssub.s32 s2, s12;
	s3 =	simm.s32 @!p0 $0x240  }
0x78: {  	s0 =	smul.u32 s5, s0;
	s22 =	ssub.s32 s3, s10;
	p0 =	slt.s32 s21, $0x1  }
0x79: {  	[dreg:$0x7] =	wrdreg s10;
	p1 =	slt.s32 @!p0 s22, $0x1  }
0x7a: {  	[dreg:$0x6] =	wrdreg s9;
	s0 =	smul.u32 s1, s0;
	p1 =	por p0, p1  }
.Ltmp3:
0x7b: {  	s30 =	simm.s32 $0x1;
	[dreg:$0x11] =	wrdreg s29;
	(pc) =	sbr.rel @p1 .LBB1_14-.Ltmp3, $4  }
0x7c: {  	[dreg:$0xf] =	wrdreg s5;
	s1 =	sand.u32 $0x3FFFFFFF, s0;
	s0 =	sand.u32 $0x1, s9  }
0x7d: {  	_ =	swait.ge [sflag:s30], s1;
	s31 =	smul.u32 $0x4080, s0  }
0x7e: {  	s1 =	ssub.s32 $0x0, s1;
	[sflag:s30] =	ssyncset.done $0x0  }
0x7f: {  	[sflag:s30] =	ssyncadd.s32 s1;
	[dreg:$0x12] =	wrdreg s31  }
0x80: {  	s2 =	rddreg [dreg:$0x5]  }
0x81: {  	s1 =	sadd.s32 $0x80, s2  }
0x82: {  	p1 =	slt.s32 s1, $0x240  }
.Ltmp4:
0x83: {  	s1 =	simm.s32 @!p1 $0x240;
	(pc) =	sbr.rel .LBB1_4-.Ltmp4, $4  }
0x84: {  	s25 =	sshll.u32 @!p0 s0, $0xE;
	s0 =	rddreg [dreg:$0x12];
	s1 =	ssub.s32 s1, s2  }
0x85: {  	s28 =	simm.s32 $0x0;
	s26 =	sor.u32 @!p0 $0x8000, s0;
	s1 =	sadd.s32 $0xF, s1  }
0x86: {  	s23 =	sand.u32 $0xFFFFFFF0, s1;
	s24 =	sand.u32 @!p0 $0xFFFFFF00, s1;
	s31 =	sshll.u32 s1, $0x3  }
0x87: {  	p0 =	slt.s32 s1, $0x100;
	s27 =	sand.u32 $0xFFFFF800, s31;
	p1 =	sge.s32 s24, s23  }
.LBB1_13:
0x88: {  	s28 =	sadd.s32 $0x1, s28  }
0x89: {  	p2 =	sne.s32 s28, s21  }
.Ltmp5:
0x8a: {  	_ = 	snop;
	(pc) =	sbr.rel @!p2 .LBB1_14-.Ltmp5, $1  }
0x8b: {  	_ =	sdelay $0x3  }
.LBB1_4:
.Ltmp6:
0x8c: {  	(pc) =	sbr.rel .LBB1_5-.Ltmp6, $4  }
0x8d: {  	s1 =	smul.u32 $0x10200, s28  }
0x8e: {  	s0 =	sshll.u32 s28, $0x10  }
0x8f: {  	s31 =	simm.s32 $0x400;
	s0 =	sshra.s32 s0, $0x2;
	s20 =	sshra.s32 s1, $0x2  }
0x90: {  	s29 =	sadd.s32 s0, s25;
	s0 =	simm.s32 $0x0;
	s30 =	sadd.s32 s20, s26  }
.LBB1_12:
0x91: {  	s0 =	sadd.s32 $0x1, s0  }
0x92: {  	p2 =	sne.s32 s0, s22  }
.Ltmp7:
0x93: {  	_ = 	snop;
	(pc) =	sbr.rel @!p2 .LBB1_13-.Ltmp7, $2  }
0x94: {  	_ =	sdelay $0x2  }
0x95: {  	s31 =	sadd.s32 $0x80, s31  }
.LBB1_5:
.Ltmp8:
0x96: {  	(pc) =	sbr.rel @p0 .LBB1_9-.Ltmp8, $2  }
0x97: {  	_ =	sdelay $0x2  }
0x98: {  	s1 =	sshll.u32 s0, $0x7;
	s6 =	sand.u32 $0x7F, s0  }
0x99: {  	s9 =	sshll.u32 s0, $0x3  }
0x9a: {  	s5 =	sand.u32 $0x380, s1;
	s7 =	sshrl.u32 s9, $0x7;
	s3 =	sadd.s32 $0x800, s9  }
0x9b: {  	s11 =	sadd.s32 $0x1000, s9;
	s10 =	sadd.s32 s5, s29;
	s15 =	sadd.s32 $0x1800, s9  }
0x9c: {  	s13 =	sadd.s32 $0x2800, s9;
	s19 =	sadd.s32 $0x3000, s9;
	s9 =	sadd.s32 $0x3800, s9  }
0x9d: {  	s2 =	sand.u32 $0x78, s7;
	s3 =	sshrl.u32 s3, $0x7;
	s14 =	sshrl.u32 s11, $0x7  }
0x9e: {  	s11 =	sshrl.u32 s15, $0x7;
	s4 =	smul.u32 $0x204, s2;
	s3 =	sand.u32 $0x78, s3  }
0x9f: {  	s18 =	sshrl.u32 s13, $0x7;
	s5 =	sand.u32 $0x78, s14;
	s3 =	smul.u32 $0x204, s3  }
0xa0: {  	s8 =	sshrl.u32 s19, $0x7;
	s11 =	sand.u32 $0x78, s11;
	s5 =	smul.u32 $0x204, s5  }
0xa1: {  	s9 =	sshrl.u32 s9, $0x7;
	s2 =	sxor.u32 $0x40, s2;
	s11 =	smul.u32 $0x204, s11  }
0xa2: {  	s13 =	sadd.s32 $0x10, s7;
	s9 =	sand.u32 $0x78, s9;
	s16 =	smul.u32 $0x204, s2  }
0xa3: {  	v0 =	vmov s10;
	s10 =	sand.u32 $0x3C00, s31;
	s14 =	sadd.s32 $0x20, s7;
	s9 =	smul.u32 $0x204, s9  }
0xa4: {  	s15 =	sand.u32 $0x78, s14;
	s14 =	sadd.s32 $0x60, s7;
	s4 =	sshrl.u32 s4, $0x2  }
0xa5: {  	s14 =	sand.u32 $0x78, s14;
	s4 =	sadd.s32 s4, s30;
	s3 =	sshrl.u32 s3, $0x2  }
0xa6: {  	s5 =	sshrl.u32 s5, $0x2;
	s17 =	sshrl.u32 s11, $0x2;
	s11 =	sand.u32 $0x78, s18  }
0xa7: {  	s9 =	sshrl.u32 s9, $0x2;
	s12 =	sadd.s32 s3, s30;
	s3 =	sadd.s32 s6, s4  }
0xa8: {  	s5 =	sadd.s32 s5, s30;
	s11 =	smul.u32 $0x204, s11;
	s9 =	sadd.s32 s9, s30  }
0xa9: {  	s4 =	sadd.s32 s6, s12;
	s2 =	sadd.s32 s6, s5;
	s12 =	sshrl.u32 s16, $0x2  }
0xaa: {  	s5 =	sadd.s32 s17, s30;
	s16 =	sadd.s32 $0x30, s7;
	s12 =	sadd.s32 s12, s30  }
0xab: {  	s20 =	sadd.s32 s6, s5;
	s11 =	sshrl.u32 s11, $0x2;
	s5 =	sadd.s32 s6, s12  }
0xac: {  	s12 =	sand.u32 $0x78, s8;
	s11 =	sadd.s32 s11, s30;
	s8 =	sadd.s32 $0x50, s7  }
0xad: {  	s12 =	smul.u32 $0x204, s12;
	s18 =	sadd.s32 s6, s11;
	s11 =	sand.u32 $0x78, s13  }
0xae: {  	s7 =	sadd.s32 $0x70, s7;
	s13 =	sand.u32 $0x78, s8;
	s11 =	smul.u32 $0x204, s11  }
0xaf: {  	s7 =	sand.u32 $0x78, s7;
	s13 =	smul.u32 $0x204, s13;
	s12 =	sshrl.u32 s12, $0x2  }
0xb0: {  	s17 =	sadd.s32 s6, s9;
	s7 =	smul.u32 $0x204, s7;
	s12 =	sadd.s32 s12, s30  }
0xb1: {  	s11 =	sshrl.u32 s11, $0x2;
	s19 =	sadd.s32 s6, s12;
	s12 =	smul.u32 $0x204, s15  }
0xb2: {  	s9 =	sadd.s32 s11, s30;
	s11 =	sand.u32 $0x78, s16;
	s16 =	smul.u32 $0x204, s14  }
0xb3: {  	v1 =	vld.idx.msk [tilespmem:v0+s10+$0x0 ss:$0x1], $0xffff;
	s11 =	smul.u32 $0x204, s11  }
0xb4: {  	s13 =	sshrl.u32 s13, $0x2;
	s7 =	sshrl.u32 s7, $0x2;
	s12 =	sshrl.u32 s12, $0x2  }
0xb5: {  	s16 =	sshrl.u32 s16, $0x2;
	s11 =	sshrl.u32 s11, $0x2;
	s12 =	sadd.s32 s12, s30  }
0xb6: {  	s15 =	sadd.s32 s11, s30;
	s11 =	sadd.s32 s6, s9;
	s14 =	sadd.s32 s6, s12  }
0xb7: {  	s9 =	sadd.s32 s13, s30;
	s12 =	sadd.s32 s16, s30;
	s13 =	sadd.s32 $0xFFFFFC00, s31  }
0xb8: {  	[tilespmem:s3+$0x0 ss:$0x81] =	vst.msk $0xffff, v1;
	v1 =	vld.idx.msk [tilespmem:v0+s10+$0x20 ss:$0x1], $0xffff;
	s8 =	sadd.s32 s7, s30;
	s7 =	sadd.s32 s6, s12;
	s12 =	sand.u32 $0x3C00, s13  }
0xb9: {  	v2 =	vld.idx.msk [tilespmem:v0+s12+$0x70 ss:$0x1], $0xffff  }
0xba: {  	v3 =	vld.idx.msk [tilespmem:v0+s12+$0x0 ss:$0x1], $0xffff  }
0xbb: {  	v4 =	vld.idx.msk [tilespmem:v0+s12+$0x10 ss:$0x1], $0xffff  }
0xbc: {  	v5 =	vld.idx.msk [tilespmem:v0+s12+$0x20 ss:$0x1], $0xffff  }
0xbd: {  	v6 =	vld.idx.msk [tilespmem:v0+s12+$0x30 ss:$0x1], $0xffff  }
0xbe: {  	v7 =	vld.idx.msk [tilespmem:v0+s12+$0x40 ss:$0x1], $0xffff;
	[tilespmem:s17+$0x0 ss:$0x81] =	vst.msk $0xffff, v2  }
0xbf: {  	v8 =	vld.idx.msk [tilespmem:v0+s12+$0x50 ss:$0x1], $0xffff;
	[tilespmem:s3+$0x0 ss:$0x81] =	vst.msk $0xffff, v3  }
0xc0: {  	p2 =	sgt.s32 s24, $0x100;
	v9 =	vld.idx.msk [tilespmem:v0+s12+$0x60 ss:$0x1], $0xffff;
	[tilespmem:s4+$0x0 ss:$0x81] =	vst.msk $0xffff, v4  }
.Ltmp9:
0xc1: {  	v4 =	vld.idx.msk [tilespmem:v0+s10+$0x10 ss:$0x1], $0xffff;
	[tilespmem:s2+$0x0 ss:$0x81] =	vst.msk $0xffff, v5;
	(pc) =	sbr.rel @!p2 .LBB1_8-.Ltmp9, $4  }
0xc2: {  	[tilespmem:s20+$0x0 ss:$0x81] =	vst.msk $0xffff, v6;
	v2 =	vld.idx.msk [tilespmem:v0+s10+$0x30 ss:$0x1], $0xffff  }
0xc3: {  	[tilespmem:s5+$0x0 ss:$0x81] =	vst.msk $0xffff, v7;
	v3 =	vld.idx.msk [tilespmem:v0+s10+$0x40 ss:$0x1], $0xffff  }
0xc4: {  	s15 =	sadd.s32 s6, s15;
	s16 =	sadd.s32 s6, s9;
	[tilespmem:s18+$0x0 ss:$0x81] =	vst.msk $0xffff, v8;
	v5 =	vld.idx.msk [tilespmem:v0+s10+$0x50 ss:$0x1], $0xffff  }
0xc5: {  	s9 =	sadd.s32 s6, s8;
	s13 =	simm.s32 $0x100;
	s12 =	sadd.s32 $0x800, s31;
	[tilespmem:s19+$0x0 ss:$0x81] =	vst.msk $0xffff, v9;
	v6 =	vld.idx.msk [tilespmem:v0+s10+$0x60 ss:$0x1], $0xffff  }
.LBB1_7:
0xc6: {  	s8 =	sadd.s32 $0xFFFFFC00, s12;
	s13 =	sadd.s32 $0x100, s13;
	[tilespmem:s11+$0x0 ss:$0x81] =	vst.msk $0xffff, v4;
	v4 =	vld.idx.msk [tilespmem:v0+s10+$0x70 ss:$0x1], $0xffff;
	s10 =	sand.u32 $0x3C00, s12  }
0xc7: {  	s8 =	sand.u32 $0x3C00, s8;
	v7 =	vld.idx.msk [tilespmem:v0+s10+$0x0 ss:$0x1], $0xffff;
	p2 =	slt.s32 s13, s24;
	[tilespmem:s14+$0x0 ss:$0x81] =	vst.msk $0xffff, v1  }
0xc8: {  	v1 =	vld.idx.msk [tilespmem:v0+s8+$0x70 ss:$0x1], $0xffff;
	[tilespmem:s15+$0x0 ss:$0x81] =	vst.msk $0xffff, v2  }
0xc9: {  	v2 =	vld.idx.msk [tilespmem:v0+s8+$0x0 ss:$0x1], $0xffff;
	[tilespmem:s5+$0x0 ss:$0x81] =	vst.msk $0xffff, v3  }
0xca: {  	v3 =	vld.idx.msk [tilespmem:v0+s8+$0x10 ss:$0x1], $0xffff;
	[tilespmem:s16+$0x0 ss:$0x81] =	vst.msk $0xffff, v5  }
0xcb: {  	v5 =	vld.idx.msk [tilespmem:v0+s8+$0x20 ss:$0x1], $0xffff;
	[tilespmem:s7+$0x0 ss:$0x81] =	vst.msk $0xffff, v6  }
0xcc: {  	v6 =	vld.idx.msk [tilespmem:v0+s8+$0x30 ss:$0x1], $0xffff;
	[tilespmem:s9+$0x0 ss:$0x81] =	vst.msk $0xffff, v4  }
0xcd: {  	v8 =	vld.idx.msk [tilespmem:v0+s8+$0x40 ss:$0x1], $0xffff;
	[tilespmem:s3+$0x0 ss:$0x81] =	vst.msk $0xffff, v7  }
0xce: {  	v7 =	vld.idx.msk [tilespmem:v0+s8+$0x50 ss:$0x1], $0xffff;
	[tilespmem:s17+$0x0 ss:$0x81] =	vst.msk $0xffff, v1  }
0xcf: {  	[tilespmem:s3+$0x0 ss:$0x81] =	vst.msk $0xffff, v2;
	v9 =	vld.idx.msk [tilespmem:v0+s8+$0x60 ss:$0x1], $0xffff  }
0xd0: {  	[tilespmem:s4+$0x0 ss:$0x81] =	vst.msk $0xffff, v3;
	v4 =	vld.idx.msk [tilespmem:v0+s10+$0x10 ss:$0x1], $0xffff  }
.Ltmp10:
0xd1: {  	[tilespmem:s2+$0x0 ss:$0x81] =	vst.msk $0xffff, v5;
	v1 =	vld.idx.msk [tilespmem:v0+s10+$0x20 ss:$0x1], $0xffff;
	(pc) =	sbr.rel @p2 .LBB1_7-.Ltmp10, $4  }
0xd2: {  	[tilespmem:s20+$0x0 ss:$0x81] =	vst.msk $0xffff, v6;
	v2 =	vld.idx.msk [tilespmem:v0+s10+$0x30 ss:$0x1], $0xffff  }
0xd3: {  	[tilespmem:s5+$0x0 ss:$0x81] =	vst.msk $0xffff, v8;
	v3 =	vld.idx.msk [tilespmem:v0+s10+$0x40 ss:$0x1], $0xffff  }
0xd4: {  	[tilespmem:s18+$0x0 ss:$0x81] =	vst.msk $0xffff, v7;
	v5 =	vld.idx.msk [tilespmem:v0+s10+$0x50 ss:$0x1], $0xffff  }
0xd5: {  	s12 =	sadd.s32 $0x800, s12;
	[tilespmem:s19+$0x0 ss:$0x81] =	vst.msk $0xffff, v9;
	v6 =	vld.idx.msk [tilespmem:v0+s10+$0x60 ss:$0x1], $0xffff  }
.LBB1_8:
0xd6: {  	_ =	sdelay $0x2  }
0xd7: {  	[tilespmem:s11+$0x0 ss:$0x81] =	vst.msk $0xffff, v4  }
0xd8: {  	v0 =	vld.idx.msk [tilespmem:v0+s10+$0x70 ss:$0x1], $0xffff;
	[tilespmem:s14+$0x0 ss:$0x81] =	vst.msk $0xffff, v1  }
0xd9: {  	[tilespmem:s15+$0x0 ss:$0x81] =	vst.msk $0xffff, v2  }
0xda: {  	[tilespmem:s5+$0x0 ss:$0x81] =	vst.msk $0xffff, v3  }
0xdb: {  	[tilespmem:s16+$0x0 ss:$0x81] =	vst.msk $0xffff, v5  }
0xdc: {  	[tilespmem:s7+$0x0 ss:$0x81] =	vst.msk $0xffff, v6  }
0xdd: {  	[tilespmem:s9+$0x0 ss:$0x81] =	vst.msk $0xffff, v0  }
.LBB1_9:
.Ltmp11:
0xde: {  	(pc) =	sbr.rel @p1 .LBB1_12-.Ltmp11, $1  }
0xdf: {  	_ =	sdelay $0x3  }
0xe0: {  	s3 =	sand.u32 $0x380, s1;
	s2 =	sshrl.u32 s0, $0x4;
	s4 =	sadd.s32 s6, s30  }
0xe1: {  	s5 =	smov.u32 s27;
	s6 =	smov.u32 s24;
	s3 =	sadd.s32 s3, s29  }
.LBB1_11:
0xe2: {  	s7 =	sand.u32 $0x3C00, s5  }
0xe3: {  	s7 =	sadd.s32 s1, s7  }
0xe4: {  	s7 =	sand.u32 $0x3C00, s7  }
0xe5: {  	s8 =	sand.u32 $0x70, s6;
	s19 =	sadd.s32 s6, s2;
	s7 =	sadd.s32 s7, s3  }
0xe6: {  	s6 =	sadd.s32 $0x10, s6;
	s20 =	sand.u32 $0x78, s19;
	s7 =	sadd.s32 s8, s7  }
0xe7: {  	p2 =	slt.s32 s6, s23;
	v0 =	vld [tilespmem:s7+$0x0];
	s7 =	smul.u32 $0x204, s20  }
.Ltmp12:
0xe8: {  	_ = 	snop;
	(pc) =	sbr.rel @p2 .LBB1_11-.Ltmp12, $4  }
0xe9: {  	_ = 	snop  }
0xea: {  	s7 =	sshrl.u32 s7, $0x2  }
0xeb: {  	s7 =	sadd.s32 s7, s4  }
0xec: {  	s5 =	sadd.s32 $0x80, s5;
	[tilespmem:s7+$0x0 ss:$0x81] =	vst.msk $0xffff, v0  }
.Ltmp13:
0xed: {  	_ = 	snop;
	(pc) =	sbr.rel .LBB1_12-.Ltmp13, $1  }
0xee: {  	_ =	sdelay $0x3  }
.LBB1_16:
0xef: {  	_ =	sfence.sel $0x180000  }
0xf0: {  	s0 =	simm.s32 $0x1;
	[bflag:$0x0] =	sbarrier.arrive $0xFFFF  }
0xf1: {  	s30 =	simm.s32 $0x2;
	[sflag:s0] =	ssyncpa.u1 $0x1  }
0xf2: {  	[sflag:s30] =	ssyncpa.u1 $0x1  }
0xf3: {  	_ =	strace $0x90000047  }
0xf4: {  	s31 =	stileid.u32;
	[bflag:$0x2] =	sbarrier.arrive $0xFFFF  }
0xf5: {  	p0 =	sne.s32 s31, $0x0;
	s0 =	rddreg [dreg:$0x1]  }
0xf6: {  	s0 =	sadd.s32 @!p0 $0x100000, s0  }
0xf7: {  	[sflag:s0] =	ssyncadd.tile.s32 @!p0 $0x1;
	_ =	shalt  }
.Lfunc_end1:
_tile_overlayer_lowered:
.L_overlay_start_2:
0xf8: {  	(tag) =	ssettag $0x2  }
0xf9: {  	s0 =	rddreg [dreg:$0x0];
	s2 =	stileid.u32  }
0xfa: {  	s1 =	rddreg [dreg:$0x1];
	p0 =	sne.s32 s2, $0x0  }
0xfb: {  	s3 =	rddreg [dreg:$0x2];
	[bflag:$0x3] =	sbarrier.arrive $0xFFFF;
	s2 =	simm.s32 @!p0 $0x1C01  }
0xfc: {  	[timem:s3], [sflag:s2] =	dma.local @!p0 [hbm:s0], s1  }
0xfd: {  	s0 =	simm.s32 @!p0 $0x1  }
0xfe: {  	_ =	swait.ge @!p0 [sflag:s0], s1  }
0xff: {  	s1 =	ssub.s32 @!p0 $0x0, s1;
	[sflag:s0] =	ssyncset.done @!p0 $0x0  }
0x100: {  	[sflag:s0] =	ssyncadd.s32 @!p0 s1  }
0x101: {  	[bflag:$0x3] =	sbarrier.arrive $0xFFFF  }
0x102: {  	_ =	shalt  }

</sc_bundles>
